<compile_context>
chip_gen: v7x
topology: tpu7x:2x2x1
jax: 0.10.2.dev20260603
libtpu: 0.0.44.dev20260713+nightly
codegen_flags: <defaults>
</compile_context>

<pallas_src>
import functools

import jax
import jax.numpy as jnp
from jax import lax
from jax.experimental import pallas as pl
from jax.experimental.pallas import tpu as pltpu
from jax.experimental.pallas import tpu_sc as plsc

N = 10000
E = 320000
D = 128
H = 128
OUT = 128
G = 256

NC = 2
NS = 16
NW = NC * NS

CH = 128
EPT = E // NW
NFULL = EPT // CH
TAIL = EPT - NFULL * CH
RPT = 624
CZ = 104


def _sc_scatter_add(x, src, dst):
    mesh = plsc.VectorSubcoreMesh(core_axis_name="c", subcore_axis_name="s")

    @functools.partial(
        pl.kernel,
        mesh=mesh,
        out_type=jax.ShapeDtypeStruct((NC, N, D), jnp.float32),
        scratch_types=[
            pltpu.VMEM((CH,), jnp.int32),
            pltpu.VMEM((CH,), jnp.int32),
            pltpu.VMEM((CH, D), jnp.float32),
            pltpu.VMEM((TAIL,), jnp.int32),
            pltpu.VMEM((TAIL,), jnp.int32),
            pltpu.VMEM((TAIL, D), jnp.float32),
            pltpu.VMEM((CZ, D), jnp.float32),
            pltpu.VMEM_SHARED((N, D), jnp.float32),
            pltpu.SemaphoreType.DMA,
        ],
    )
    def body(x_hbm, src_hbm, dst_hbm, out_hbm,
             sbuf, dbuf, rows, sbuf_t, dbuf_t, rows_t, zbuf, acc, sem):
        cid = lax.axis_index("c")
        sid = lax.axis_index("s")

        z16 = jnp.zeros((16,), jnp.float32)

        def zrow(r, carry):
            for j in range(D // 16):
                zbuf[r, pl.ds(j * 16, 16)] = z16
            return carry

        lax.fori_loop(0, CZ, zrow, 0)
        r0 = sid * RPT
        for k in range(RPT // CZ):
            pltpu.sync_copy(zbuf, acc.at[pl.ds(r0 + k * CZ, CZ)])

        @pl.when(sid == NS - 1)
        def _():
            pltpu.sync_copy(zbuf.at[pl.ds(0, 16)], acc.at[pl.ds(NS * RPT, 16)])

        plsc.subcore_barrier()

        wid = cid * NS + sid
        base = wid * EPT

        def step(j, carry):
            off = base + j * CH
            pltpu.sync_copy(src_hbm.at[pl.ds(off, CH)], sbuf)
            pltpu.sync_copy(dst_hbm.at[pl.ds(off, CH)], dbuf)
            pltpu.async_copy(x_hbm.at[sbuf], rows, sem).wait()
            pltpu.sync_copy(rows, acc.at[dbuf], add=True)
            return carry

        lax.fori_loop(0, NFULL, step, 0)

        offt = base + NFULL * CH
        pltpu.sync_copy(src_hbm.at[pl.ds(offt, TAIL)], sbuf_t)
        pltpu.sync_copy(dst_hbm.at[pl.ds(offt, TAIL)], dbuf_t)
        pltpu.async_copy(x_hbm.at[sbuf_t], rows_t, sem).wait()
        pltpu.sync_copy(rows_t, acc.at[dbuf_t], add=True)

        plsc.subcore_barrier()

        for k in range(RPT // CZ):
            rr = r0 + k * CZ
            pltpu.sync_copy(acc.at[pl.ds(rr, CZ)], out_hbm.at[cid, pl.ds(rr, CZ)])

        @pl.when(sid == NS - 1)
        def _():
            pltpu.sync_copy(acc.at[pl.ds(NS * RPT, 16)],
                            out_hbm.at[cid, pl.ds(NS * RPT, 16)])

    return body(x, src, dst)


BLK = 2000


def _tc_head(x, agg, batch2d, W1, b1, W2, b2, Wp, bp, Wc, bc):
    grid = N // BLK

    def body(x_ref, agg_ref, b_ref, W1_ref, b1_ref, W2_ref, b2_ref,
             Wp_ref, bp_ref, Wc_ref, bc_ref, out_ref, sums, cnt):
        i = pl.program_id(0)
        t = x_ref[...] + agg_ref[0] + agg_ref[1]
        h = jnp.dot(t, W1_ref[...], preferred_element_type=jnp.float32) + b1_ref[...]
        h = jnp.maximum(h, 0.0)
        h2 = jnp.dot(h, W2_ref[...], preferred_element_type=jnp.float32) + b2_ref[...]
        seg = b_ref[...].reshape(1, BLK)
        gids = lax.broadcasted_iota(jnp.int32, (G, BLK), 0)
        m = (gids == seg).astype(jnp.float32)
        psum = jnp.dot(m, h2, preferred_element_type=jnp.float32)
        pcnt = jnp.sum(m, axis=1, keepdims=True)

        @pl.when(i == 0)
        def _():
            sums[...] = psum
            cnt[...] = pcnt

        @pl.when(i > 0)
        def _():
            sums[...] += psum
            cnt[...] += pcnt

        @pl.when(i == grid - 1)
        def _():
            pooled = sums[...] / jnp.maximum(cnt[...], 1.0)
            emb = jnp.dot(pooled, Wp_ref[...], preferred_element_type=jnp.float32) + bp_ref[...]
            out_ref[...] = jnp.dot(emb, Wc_ref[...], preferred_element_type=jnp.float32) + bc_ref[...]

    return pl.pallas_call(
        body,
        grid=(grid,),
        in_specs=[
            pl.BlockSpec((BLK, D), lambda i: (i, 0)),
            pl.BlockSpec((NC, BLK, D), lambda i: (0, i, 0)),
            pl.BlockSpec((BLK, 1), lambda i: (i, 0)),
            pl.BlockSpec((D, H), lambda i: (0, 0)),
            pl.BlockSpec((1, H), lambda i: (0, 0)),
            pl.BlockSpec((H, H), lambda i: (0, 0)),
            pl.BlockSpec((1, H), lambda i: (0, 0)),
            pl.BlockSpec((H, OUT), lambda i: (0, 0)),
            pl.BlockSpec((1, OUT), lambda i: (0, 0)),
            pl.BlockSpec((OUT, 1), lambda i: (0, 0)),
            pl.BlockSpec((1, 1), lambda i: (0, 0)),
        ],
        out_specs=pl.BlockSpec((G, 1), lambda i: (0, 0)),
        out_shape=jax.ShapeDtypeStruct((G, 1), jnp.float32),
        scratch_shapes=[
            pltpu.VMEM((G, H), jnp.float32),
            pltpu.VMEM((G, 1), jnp.float32),
        ],
    )(x, agg, batch2d, W1, b1, W2, b2, Wp, bp, Wc, bc)


def kernel(support_x, support_edge_index, support_batch,
           query_x, query_edge_index, query_batch,
           W1, b1, W2, b2, Wp, bp, Wc, bc):
    src = query_edge_index[0]
    dst = query_edge_index[1]
    agg = _sc_scatter_add(query_x, src, dst)
    return _tc_head(
        query_x, agg, query_batch.reshape(N, 1),
        W1, b1.reshape(1, H), W2, b2.reshape(1, H),
        Wp, bp.reshape(1, OUT), Wc, bc.reshape(1, 1))

# --- scband reference (transcript-rebuilt; emitter-appended) ---
"""Pipeline reference for scband-gsmeta-core-49117245997814 (READ-ONLY COPY).

The authoritative reference and input builder live on the scoring server;
editing this copy changes nothing except your own understanding.
"""

import jax, jax.numpy as jnp
import numpy as np

N = 10000   # nodes per episode graph batch
E = 320000  # edges
D = 128     # mol_input_dim
H = 128     # hidden_dim
OUT = 128   # embedding_dim
G = 256     # molecules (graphs) per episode


def setup_inputs(seed: int = 0) -> dict:
    key = jax.random.key(seed)
    ks = jax.random.split(key, 16)
    support_x = jax.random.normal(ks[0], (N, D), dtype=jnp.float32)
    support_edge_index = jax.random.randint(ks[1], (2, E), 0, N, dtype=jnp.int32)
    support_batch = jnp.sort(jax.random.randint(ks[2], (N,), 0, G, dtype=jnp.int32))
    query_x = jax.random.normal(ks[3], (N, D), dtype=jnp.float32)
    query_edge_index = jax.random.randint(ks[4], (2, E), 0, N, dtype=jnp.int32)
    query_batch = jnp.sort(jax.random.randint(ks[5], (N,), 0, G, dtype=jnp.int32))
    # GIN encoder params (MLP after scatter-add aggregation) + readout proj + classifier
    W1 = jax.random.normal(ks[6], (D, H), dtype=jnp.float32) * 0.05
    b1 = jnp.zeros((H,), dtype=jnp.float32)
    W2 = jax.random.normal(ks[7], (H, H), dtype=jnp.float32) * 0.05
    b2 = jnp.zeros((H,), dtype=jnp.float32)
    Wp = jax.random.normal(ks[8], (H, OUT), dtype=jnp.float32) * 0.05
    bp = jnp.zeros((OUT,), dtype=jnp.float32)
    Wc = jax.random.normal(ks[9], (OUT, 1), dtype=jnp.float32) * 0.05
    bc = jnp.zeros((1,), dtype=jnp.float32)
    return {
        "support_x": support_x, "support_edge_index": support_edge_index, "support_batch": support_batch,
        "query_x": query_x, "query_edge_index": query_edge_index, "query_batch": query_batch,
        "W1": W1, "b1": b1, "W2": W2, "b2": b2, "Wp": Wp, "bp": bp, "Wc": Wc, "bc": bc,
    }


def _gnn_encode(x, edge_index, batch, W1, b1, W2, b2, Wp, bp):
    # GIN conv: scatter-add neighbor features into dst nodes
    src = edge_index[0]
    dst = edge_index[1]
    agg = jnp.zeros_like(x).at[dst].add(jnp.take(x, src, axis=0))
    h = x + agg  # (1 + eps) * x + sum_neighbors, eps = 0
    h = jax.nn.relu(h @ W1 + b1)
    h = h @ W2 + b2
    # global mean pool per molecule (segment reduce)
    sums = jax.ops.segment_sum(h, batch, num_segments=G)
    cnt = jax.ops.segment_sum(jnp.ones((x.shape[0], 1), dtype=x.dtype), batch, num_segments=G)
    pooled = sums / jnp.clip(cnt, 1.0, None)
    return pooled @ Wp + bp


def reference(support_x, support_edge_index, support_batch,
              query_x, query_edge_index, query_batch,
              W1, b1, W2, b2, Wp, bp, Wc, bc):
    # Faithful translation of GSMetaCore.forward with mpg_data=None, params=None
    support_emb = _gnn_encode(support_x, support_edge_index, support_batch, W1, b1, W2, b2, Wp, bp)
    query_emb = _gnn_encode(query_x, query_edge_index, query_batch, W1, b1, W2, b2, Wp, bp)
    # context_emb is None (no MPG encoder metadata set) -> final_emb = query_emb
    final_emb = query_emb
    logits = final_emb @ Wc + bc
    return logits

if __name__ == "__main__":
    import jax
    _d = setup_inputs()
    print(jax.jit(kernel)(*tuple(_d.values())))

</pallas_src>

<mosaic_0001>
#map = affine_map<(d0, d1) -> (0, 0)>
#map1 = affine_map<(d0, d1) -> (0)>
#map2 = affine_map<(d0, d1) -> (0, 0, 0)>
module attributes {stable_mosaic.version = 14 : i64} {
  func.func @body(%arg0: i32, %arg1: i32, %arg2: memref<10000x128xf32, #tpu.memory_space<hbm>>, %arg3: memref<320000xi32, #tpu.memory_space<hbm>>, %arg4: memref<320000xi32, #tpu.memory_space<hbm>>, %arg5: memref<2x10000x128xf32, #tpu.memory_space<hbm>>, %arg6: memref<128xi32, #tpu.memory_space<vmem>>, %arg7: memref<128xi32, #tpu.memory_space<vmem>>, %arg8: memref<128x128xf32, #tpu.memory_space<vmem>>, %arg9: memref<16xi32, #tpu.memory_space<vmem>>, %arg10: memref<16xi32, #tpu.memory_space<vmem>>, %arg11: memref<16x128xf32, #tpu.memory_space<vmem>>, %arg12: memref<104x128xf32, #tpu.memory_space<vmem>>, %arg13: memref<10000x128xf32, #tpu.memory_space<vmem_shared>>, %arg14: memref<!tpu.dma_semaphore, #tpu.memory_space<semaphore_mem>>) attributes {dimension_semantics = [#tpu.dimension_semantics<core_parallel>, #tpu.dimension_semantics<subcore_parallel>], iteration_bounds = array<i64: 2, 16>, scalar_prefetch = 0 : i64, scratch_operands = 9 : i64, tpu.core_type = #tpu.core_type<sc_vector_subcore>, window_params = [{transform_indices = #map}, {transform_indices = #map1}, {transform_indices = #map1}, {transform_indices = #map2}]} {
    %broadcast_in_dim3A = arith.constant 0.000000e+00 : f32
    %broadcast_in_dim3A_0 = vector.broadcast %broadcast_in_dim3A : f32 to vector<16xf32>
    %scan3A = arith.constant 0 : i32
    %scan3A_1 = arith.constant 0 : i32
    %scan3A_2 = arith.constant 104 : i32
    %scan3A_3 = arith.addi %scan3A_1, %scan3A_2 : i32
    %scan3A_4 = arith.constant 1 : i32
    scf.for %scan3A_55 = %scan3A_1 to %scan3A_3 step %scan3A_4  : i32 {
      %swap3A = arith.index_cast %scan3A_55 : i32 to index
      %swap3A_56 = arith.constant 0 : index
      %swap3A_57 = tpu.vector_load %arg12[%swap3A, %swap3A_56] {strides = array<i32>} : memref<104x128xf32, #tpu.memory_space<vmem>>, vector<1x16xf32>,
      %swap3A_58 = vector.shape_cast %swap3A_57 : vector<1x16xf32> to vector<16xf32>
      %swap3A_59 = vector.shape_cast %broadcast_in_dim3A_0 : vector<16xf32> to vector<1x16xf32>
      tpu.vector_store %arg12[%swap3A, %swap3A_56], %swap3A_59 {strides = array<i32>} : memref<104x128xf32, #tpu.memory_space<vmem>>, vector<1x16xf32>,
      %swap3A_60 = arith.index_cast %scan3A_55 : i32 to index
      %swap3A_61 = arith.constant 16 : index
      %swap3A_62 = tpu.vector_load %arg12[%swap3A_60, %swap3A_61] {strides = array<i32>} : memref<104x128xf32, #tpu.memory_space<vmem>>, vector<1x16xf32>,
      %swap3A_63 = vector.shape_cast %swap3A_62 : vector<1x16xf32> to vector<16xf32>
      %swap3A_64 = vector.shape_cast %broadcast_in_dim3A_0 : vector<16xf32> to vector<1x16xf32>
      tpu.vector_store %arg12[%swap3A_60, %swap3A_61], %swap3A_64 {strides = array<i32>} : memref<104x128xf32, #tpu.memory_space<vmem>>, vector<1x16xf32>,
      %swap3A_65 = arith.index_cast %scan3A_55 : i32 to index
      %swap3A_66 = arith.constant 32 : index
      %swap3A_67 = tpu.vector_load %arg12[%swap3A_65, %swap3A_66] {strides = array<i32>} : memref<104x128xf32, #tpu.memory_space<vmem>>, vector<1x16xf32>,
      %swap3A_68 = vector.shape_cast %swap3A_67 : vector<1x16xf32> to vector<16xf32>
      %swap3A_69 = vector.shape_cast %broadcast_in_dim3A_0 : vector<16xf32> to vector<1x16xf32>
      tpu.vector_store %arg12[%swap3A_65, %swap3A_66], %swap3A_69 {strides = array<i32>} : memref<104x128xf32, #tpu.memory_space<vmem>>, vector<1x16xf32>,
      %swap3A_70 = arith.index_cast %scan3A_55 : i32 to index
      %swap3A_71 = arith.constant 48 : index
      %swap3A_72 = tpu.vector_load %arg12[%swap3A_70, %swap3A_71] {strides = array<i32>} : memref<104x128xf32, #tpu.memory_space<vmem>>, vector<1x16xf32>,
      %swap3A_73 = vector.shape_cast %swap3A_72 : vector<1x16xf32> to vector<16xf32>
      %swap3A_74 = vector.shape_cast %broadcast_in_dim3A_0 : vector<16xf32> to vector<1x16xf32>
      tpu.vector_store %arg12[%swap3A_70, %swap3A_71], %swap3A_74 {strides = array<i32>} : memref<104x128xf32, #tpu.memory_space<vmem>>, vector<1x16xf32>,
      %swap3A_75 = arith.index_cast %scan3A_55 : i32 to index
      %swap3A_76 = arith.constant 64 : index
      %swap3A_77 = tpu.vector_load %arg12[%swap3A_75, %swap3A_76] {strides = array<i32>} : memref<104x128xf32, #tpu.memory_space<vmem>>, vector<1x16xf32>,
      %swap3A_78 = vector.shape_cast %swap3A_77 : vector<1x16xf32> to vector<16xf32>
      %swap3A_79 = vector.shape_cast %broadcast_in_dim3A_0 : vector<16xf32> to vector<1x16xf32>
      tpu.vector_store %arg12[%swap3A_75, %swap3A_76], %swap3A_79 {strides = array<i32>} : memref<104x128xf32, #tpu.memory_space<vmem>>, vector<1x16xf32>,
      %swap3A_80 = arith.index_cast %scan3A_55 : i32 to index
      %swap3A_81 = arith.constant 80 : index
      %swap3A_82 = tpu.vector_load %arg12[%swap3A_80, %swap3A_81] {strides = array<i32>} : memref<104x128xf32, #tpu.memory_space<vmem>>, vector<1x16xf32>,
      %swap3A_83 = vector.shape_cast %swap3A_82 : vector<1x16xf32> to vector<16xf32>
      %swap3A_84 = vector.shape_cast %broadcast_in_dim3A_0 : vector<16xf32> to vector<1x16xf32>
      tpu.vector_store %arg12[%swap3A_80, %swap3A_81], %swap3A_84 {strides = array<i32>} : memref<104x128xf32, #tpu.memory_space<vmem>>, vector<1x16xf32>,
      %swap3A_85 = arith.index_cast %scan3A_55 : i32 to index
      %swap3A_86 = arith.constant 96 : index
      %swap3A_87 = tpu.vector_load %arg12[%swap3A_85, %swap3A_86] {strides = array<i32>} : memref<104x128xf32, #tpu.memory_space<vmem>>, vector<1x16xf32>,
      %swap3A_88 = vector.shape_cast %swap3A_87 : vector<1x16xf32> to vector<16xf32>
      %swap3A_89 = vector.shape_cast %broadcast_in_dim3A_0 : vector<16xf32> to vector<1x16xf32>
      tpu.vector_store %arg12[%swap3A_85, %swap3A_86], %swap3A_89 {strides = array<i32>} : memref<104x128xf32, #tpu.memory_space<vmem>>, vector<1x16xf32>,
      %swap3A_90 = arith.index_cast %scan3A_55 : i32 to index
      %swap3A_91 = arith.constant 112 : index
      %swap3A_92 = tpu.vector_load %arg12[%swap3A_90, %swap3A_91] {strides = array<i32>} : memref<104x128xf32, #tpu.memory_space<vmem>>, vector<1x16xf32>,
      %swap3A_93 = vector.shape_cast %swap3A_92 : vector<1x16xf32> to vector<16xf32>
      %swap3A_94 = vector.shape_cast %broadcast_in_dim3A_0 : vector<16xf32> to vector<1x16xf32>
      tpu.vector_store %arg12[%swap3A_90, %swap3A_91], %swap3A_94 {strides = array<i32>} : memref<104x128xf32, #tpu.memory_space<vmem>>, vector<1x16xf32>,
    }
    %scan3A_5 = arith.constant 104 : i32
    %mul3A = arith.constant 624 : i32
    %mul3A_6 = arith.muli %arg1, %mul3A : i32
    %add3A = arith.constant 0 : i32
    %add3A_7 = arith.addi %mul3A_6, %add3A : i32
    "tpu.region"() ({
      %run_scoped3A = tpu.sem_alloc : memref<!tpu.dma_semaphore, #tpu.memory_space<semaphore_mem>>
      %dma_start3A_55 = arith.constant 0 : i32
      %dma_start3A_56 = tpu.memref_slice %arg13[%add3A_7, %dma_start3A_55] : memref<10000x128xf32, #tpu.memory_space<vmem_shared>> -> memref<104x128xf32, #tpu.memory_space<vmem_shared>>
      %dma_start3A_57 = arith.constant 0 : i32
      %dma_start3A_58 = tpu.memref_slice %arg13[%add3A_7, %dma_start3A_57] : memref<10000x128xf32, #tpu.memory_space<vmem_shared>> -> memref<104x128xf32, #tpu.memory_space<vmem_shared>>
      tpu.enqueue_dma source(%arg12 : memref<104x128xf32, #tpu.memory_space<vmem>>) target(%dma_start3A_58 : memref<104x128xf32, #tpu.memory_space<vmem_shared>>) target_semaphore(%run_scoped3A : memref<!tpu.dma_semaphore, #tpu.memory_space<semaphore_mem>>)
      %dma_wait3A_59 = arith.constant 0 : i32
      %dma_wait3A_60 = tpu.memref_slice %arg13[%add3A_7, %dma_wait3A_59] : memref<10000x128xf32, #tpu.memory_space<vmem_shared>> -> memref<104x128xf32, #tpu.memory_space<vmem_shared>>
      %dma_wait3A_61 = arith.constant 0 : i32
      %dma_wait3A_62 = tpu.memref_slice %arg13[%add3A_7, %dma_wait3A_61] : memref<10000x128xf32, #tpu.memory_space<vmem_shared>> -> memref<104x128xf32, #tpu.memory_space<vmem_shared>>
      tpu.wait_dma2 semaphore(%run_scoped3A : memref<!tpu.dma_semaphore, #tpu.memory_space<semaphore_mem>>) src(%arg12 : memref<104x128xf32, #tpu.memory_space<vmem>>) dst(%dma_wait3A_62 : memref<104x128xf32, #tpu.memory_space<vmem_shared>>)
      tpu.yield
    }) : () -> ()
    %add3A_8 = arith.constant 104 : i32
    %add3A_9 = arith.addi %mul3A_6, %add3A_8 : i32
    "tpu.region"() ({
      %run_scoped3A = tpu.sem_alloc : memref<!tpu.dma_semaphore, #tpu.memory_space<semaphore_mem>>
      %dma_start3A_55 = arith.constant 0 : i32
      %dma_start3A_56 = tpu.memref_slice %arg13[%add3A_9, %dma_start3A_55] : memref<10000x128xf32, #tpu.memory_space<vmem_shared>> -> memref<104x128xf32, #tpu.memory_space<vmem_shared>>
      %dma_start3A_57 = arith.constant 0 : i32
      %dma_start3A_58 = tpu.memref_slice %arg13[%add3A_9, %dma_start3A_57] : memref<10000x128xf32, #tpu.memory_space<vmem_shared>> -> memref<104x128xf32, #tpu.memory_space<vmem_shared>>
      tpu.enqueue_dma source(%arg12 : memref<104x128xf32, #tpu.memory_space<vmem>>) target(%dma_start3A_58 : memref<104x128xf32, #tpu.memory_space<vmem_shared>>) target_semaphore(%run_scoped3A : memref<!tpu.dma_semaphore, #tpu.memory_space<semaphore_mem>>)
      %dma_wait3A_59 = arith.constant 0 : i32
      %dma_wait3A_60 = tpu.memref_slice %arg13[%add3A_9, %dma_wait3A_59] : memref<10000x128xf32, #tpu.memory_space<vmem_shared>> -> memref<104x128xf32, #tpu.memory_space<vmem_shared>>
      %dma_wait3A_61 = arith.constant 0 : i32
      %dma_wait3A_62 = tpu.memref_slice %arg13[%add3A_9, %dma_wait3A_61] : memref<10000x128xf32, #tpu.memory_space<vmem_shared>> -> memref<104x128xf32, #tpu.memory_space<vmem_shared>>
      tpu.wait_dma2 semaphore(%run_scoped3A : memref<!tpu.dma_semaphore, #tpu.memory_space<semaphore_mem>>) src(%arg12 : memref<104x128xf32, #tpu.memory_space<vmem>>) dst(%dma_wait3A_62 : memref<104x128xf32, #tpu.memory_space<vmem_shared>>)
      tpu.yield
    }) : () -> ()
    %add3A_10 = arith.constant 208 : i32
    %add3A_11 = arith.addi %mul3A_6, %add3A_10 : i32
    "tpu.region"() ({
      %run_scoped3A = tpu.sem_alloc : memref<!tpu.dma_semaphore, #tpu.memory_space<semaphore_mem>>
      %dma_start3A_55 = arith.constant 0 : i32
      %dma_start3A_56 = tpu.memref_slice %arg13[%add3A_11, %dma_start3A_55] : memref<10000x128xf32, #tpu.memory_space<vmem_shared>> -> memref<104x128xf32, #tpu.memory_space<vmem_shared>>
      %dma_start3A_57 = arith.constant 0 : i32
      %dma_start3A_58 = tpu.memref_slice %arg13[%add3A_11, %dma_start3A_57] : memref<10000x128xf32, #tpu.memory_space<vmem_shared>> -> memref<104x128xf32, #tpu.memory_space<vmem_shared>>
      tpu.enqueue_dma source(%arg12 : memref<104x128xf32, #tpu.memory_space<vmem>>) target(%dma_start3A_58 : memref<104x128xf32, #tpu.memory_space<vmem_shared>>) target_semaphore(%run_scoped3A : memref<!tpu.dma_semaphore, #tpu.memory_space<semaphore_mem>>)
      %dma_wait3A_59 = arith.constant 0 : i32
      %dma_wait3A_60 = tpu.memref_slice %arg13[%add3A_11, %dma_wait3A_59] : memref<10000x128xf32, #tpu.memory_space<vmem_shared>> -> memref<104x128xf32, #tpu.memory_space<vmem_shared>>
      %dma_wait3A_61 = arith.constant 0 : i32
      %dma_wait3A_62 = tpu.memref_slice %arg13[%add3A_11, %dma_wait3A_61] : memref<10000x128xf32, #tpu.memory_space<vmem_shared>> -> memref<104x128xf32, #tpu.memory_space<vmem_shared>>
      tpu.wait_dma2 semaphore(%run_scoped3A : memref<!tpu.dma_semaphore, #tpu.memory_space<semaphore_mem>>) src(%arg12 : memref<104x128xf32, #tpu.memory_space<vmem>>) dst(%dma_wait3A_62 : memref<104x128xf32, #tpu.memory_space<vmem_shared>>)
      tpu.yield
    }) : () -> ()
    %add3A_12 = arith.constant 312 : i32
    %add3A_13 = arith.addi %mul3A_6, %add3A_12 : i32
    "tpu.region"() ({
      %run_scoped3A = tpu.sem_alloc : memref<!tpu.dma_semaphore, #tpu.memory_space<semaphore_mem>>
      %dma_start3A_55 = arith.constant 0 : i32
      %dma_start3A_56 = tpu.memref_slice %arg13[%add3A_13, %dma_start3A_55] : memref<10000x128xf32, #tpu.memory_space<vmem_shared>> -> memref<104x128xf32, #tpu.memory_space<vmem_shared>>
      %dma_start3A_57 = arith.constant 0 : i32
      %dma_start3A_58 = tpu.memref_slice %arg13[%add3A_13, %dma_start3A_57] : memref<10000x128xf32, #tpu.memory_space<vmem_shared>> -> memref<104x128xf32, #tpu.memory_space<vmem_shared>>
      tpu.enqueue_dma source(%arg12 : memref<104x128xf32, #tpu.memory_space<vmem>>) target(%dma_start3A_58 : memref<104x128xf32, #tpu.memory_space<vmem_shared>>) target_semaphore(%run_scoped3A : memref<!tpu.dma_semaphore, #tpu.memory_space<semaphore_mem>>)
      %dma_wait3A_59 = arith.constant 0 : i32
      %dma_wait3A_60 = tpu.memref_slice %arg13[%add3A_13, %dma_wait3A_59] : memref<10000x128xf32, #tpu.memory_space<vmem_shared>> -> memref<104x128xf32, #tpu.memory_space<vmem_shared>>
      %dma_wait3A_61 = arith.constant 0 : i32
      %dma_wait3A_62 = tpu.memref_slice %arg13[%add3A_13, %dma_wait3A_61] : memref<10000x128xf32, #tpu.memory_space<vmem_shared>> -> memref<104x128xf32, #tpu.memory_space<vmem_shared>>
      tpu.wait_dma2 semaphore(%run_scoped3A : memref<!tpu.dma_semaphore, #tpu.memory_space<semaphore_mem>>) src(%arg12 : memref<104x128xf32, #tpu.memory_space<vmem>>) dst(%dma_wait3A_62 : memref<104x128xf32, #tpu.memory_space<vmem_shared>>)
      tpu.yield
    }) : () -> ()
    %add3A_14 = arith.constant 416 : i32
    %add3A_15 = arith.addi %mul3A_6, %add3A_14 : i32
    "tpu.region"() ({
      %run_scoped3A = tpu.sem_alloc : memref<!tpu.dma_semaphore, #tpu.memory_space<semaphore_mem>>
      %dma_start3A_55 = arith.constant 0 : i32
      %dma_start3A_56 = tpu.memref_slice %arg13[%add3A_15, %dma_start3A_55] : memref<10000x128xf32, #tpu.memory_space<vmem_shared>> -> memref<104x128xf32, #tpu.memory_space<vmem_shared>>
      %dma_start3A_57 = arith.constant 0 : i32
      %dma_start3A_58 = tpu.memref_slice %arg13[%add3A_15, %dma_start3A_57] : memref<10000x128xf32, #tpu.memory_space<vmem_shared>> -> memref<104x128xf32, #tpu.memory_space<vmem_shared>>
      tpu.enqueue_dma source(%arg12 : memref<104x128xf32, #tpu.memory_space<vmem>>) target(%dma_start3A_58 : memref<104x128xf32, #tpu.memory_space<vmem_shared>>) target_semaphore(%run_scoped3A : memref<!tpu.dma_semaphore, #tpu.memory_space<semaphore_mem>>)
      %dma_wait3A_59 = arith.constant 0 : i32
      %dma_wait3A_60 = tpu.memref_slice %arg13[%add3A_15, %dma_wait3A_59] : memref<10000x128xf32, #tpu.memory_space<vmem_shared>> -> memref<104x128xf32, #tpu.memory_space<vmem_shared>>
      %dma_wait3A_61 = arith.constant 0 : i32
      %dma_wait3A_62 = tpu.memref_slice %arg13[%add3A_15, %dma_wait3A_61] : memref<10000x128xf32, #tpu.memory_space<vmem_shared>> -> memref<104x128xf32, #tpu.memory_space<vmem_shared>>
      tpu.wait_dma2 semaphore(%run_scoped3A : memref<!tpu.dma_semaphore, #tpu.memory_space<semaphore_mem>>) src(%arg12 : memref<104x128xf32, #tpu.memory_space<vmem>>) dst(%dma_wait3A_62 : memref<104x128xf32, #tpu.memory_space<vmem_shared>>)
      tpu.yield
    }) : () -> ()
    %add3A_16 = arith.constant 520 : i32
    %add3A_17 = arith.addi %mul3A_6, %add3A_16 : i32
    "tpu.region"() ({
      %run_scoped3A = tpu.sem_alloc : memref<!tpu.dma_semaphore, #tpu.memory_space<semaphore_mem>>
      %dma_start3A_55 = arith.constant 0 : i32
      %dma_start3A_56 = tpu.memref_slice %arg13[%add3A_17, %dma_start3A_55] : memref<10000x128xf32, #tpu.memory_space<vmem_shared>> -> memref<104x128xf32, #tpu.memory_space<vmem_shared>>
      %dma_start3A_57 = arith.constant 0 : i32
      %dma_start3A_58 = tpu.memref_slice %arg13[%add3A_17, %dma_start3A_57] : memref<10000x128xf32, #tpu.memory_space<vmem_shared>> -> memref<104x128xf32, #tpu.memory_space<vmem_shared>>
      tpu.enqueue_dma source(%arg12 : memref<104x128xf32, #tpu.memory_space<vmem>>) target(%dma_start3A_58 : memref<104x128xf32, #tpu.memory_space<vmem_shared>>) target_semaphore(%run_scoped3A : memref<!tpu.dma_semaphore, #tpu.memory_space<semaphore_mem>>)
      %dma_wait3A_59 = arith.constant 0 : i32
      %dma_wait3A_60 = tpu.memref_slice %arg13[%add3A_17, %dma_wait3A_59] : memref<10000x128xf32, #tpu.memory_space<vmem_shared>> -> memref<104x128xf32, #tpu.memory_space<vmem_shared>>
      %dma_wait3A_61 = arith.constant 0 : i32
      %dma_wait3A_62 = tpu.memref_slice %arg13[%add3A_17, %dma_wait3A_61] : memref<10000x128xf32, #tpu.memory_space<vmem_shared>> -> memref<104x128xf32, #tpu.memory_space<vmem_shared>>
      tpu.wait_dma2 semaphore(%run_scoped3A : memref<!tpu.dma_semaphore, #tpu.memory_space<semaphore_mem>>) src(%arg12 : memref<104x128xf32, #tpu.memory_space<vmem>>) dst(%dma_wait3A_62 : memref<104x128xf32, #tpu.memory_space<vmem_shared>>)
      tpu.yield
    }) : () -> ()
    %eq3A = arith.constant 15 : i32
    %eq3A_18 = arith.cmpi eq, %arg1, %eq3A : i32
    %convert_element_type3A = arith.extui %eq3A_18 : i1 to i32
    %cond3A = arith.constant 0 : i32
    %cond3A_19 = arith.cmpi ne, %convert_element_type3A, %cond3A : i32
    scf.if %cond3A_19 {
      "tpu.region"() ({
        %run_scoped3A = tpu.sem_alloc : memref<!tpu.dma_semaphore, #tpu.memory_space<semaphore_mem>>
        %dma_start3A_55 = arith.constant 0 : i32
        %dma_start3A_56 = arith.constant 0 : i32
        %dma_start3A_57 = tpu.memref_slice %arg12[%dma_start3A_55, %dma_start3A_56] : memref<104x128xf32, #tpu.memory_space<vmem>> -> memref<16x128xf32, #tpu.memory_space<vmem>>
        %dma_start3A_58 = arith.constant 9984 : i32
        %dma_start3A_59 = arith.constant 0 : i32
        %dma_start3A_60 = tpu.memref_slice %arg13[%dma_start3A_58, %dma_start3A_59] : memref<10000x128xf32, #tpu.memory_space<vmem_shared>> -> memref<16x128xf32, #tpu.memory_space<vmem_shared>>
        %dma_start3A_61 = arith.constant 9984 : i32
        %dma_start3A_62 = arith.constant 0 : i32
        %dma_start3A_63 = tpu.memref_slice %arg13[%dma_start3A_61, %dma_start3A_62] : memref<10000x128xf32, #tpu.memory_space<vmem_shared>> -> memref<16x128xf32, #tpu.memory_space<vmem_shared>>
        %dma_start3A_64 = arith.constant 0 : i32
        %dma_start3A_65 = arith.constant 0 : i32
        %dma_start3A_66 = tpu.memref_slice %arg12[%dma_start3A_64, %dma_start3A_65] : memref<104x128xf32, #tpu.memory_space<vmem>> -> memref<16x128xf32, #tpu.memory_space<vmem>>
        tpu.enqueue_dma source(%dma_start3A_66 : memref<16x128xf32, #tpu.memory_space<vmem>>) target(%dma_start3A_63 : memref<16x128xf32, #tpu.memory_space<vmem_shared>>) target_semaphore(%run_scoped3A : memref<!tpu.dma_semaphore, #tpu.memory_space<semaphore_mem>>)
        %dma_wait3A_67 = arith.constant 0 : i32
        %dma_wait3A_68 = arith.constant 0 : i32
        %dma_wait3A_69 = tpu.memref_slice %arg12[%dma_wait3A_67, %dma_wait3A_68] : memref<104x128xf32, #tpu.memory_space<vmem>> -> memref<16x128xf32, #tpu.memory_space<vmem>>
        %dma_wait3A_70 = arith.constant 9984 : i32
        %dma_wait3A_71 = arith.constant 0 : i32
        %dma_wait3A_72 = tpu.memref_slice %arg13[%dma_wait3A_70, %dma_wait3A_71] : memref<10000x128xf32, #tpu.memory_space<vmem_shared>> -> memref<16x128xf32, #tpu.memory_space<vmem_shared>>
        %dma_wait3A_73 = arith.constant 9984 : i32
        %dma_wait3A_74 = arith.constant 0 : i32
        %dma_wait3A_75 = tpu.memref_slice %arg13[%dma_wait3A_73, %dma_wait3A_74] : memref<10000x128xf32, #tpu.memory_space<vmem_shared>> -> memref<16x128xf32, #tpu.memory_space<vmem_shared>>
        %dma_wait3A_76 = arith.constant 0 : i32
        %dma_wait3A_77 = arith.constant 0 : i32
        %dma_wait3A_78 = tpu.memref_slice %arg12[%dma_wait3A_76, %dma_wait3A_77] : memref<104x128xf32, #tpu.memory_space<vmem>> -> memref<16x128xf32, #tpu.memory_space<vmem>>
        tpu.wait_dma2 semaphore(%run_scoped3A : memref<!tpu.dma_semaphore, #tpu.memory_space<semaphore_mem>>) src(%dma_wait3A_78 : memref<16x128xf32, #tpu.memory_space<vmem>>) dst(%dma_wait3A_75 : memref<16x128xf32, #tpu.memory_space<vmem_shared>>)
        tpu.yield
      }) : () -> ()
    } else {
    }
    %barrier3A = arith.constant 0 : index
    tpu.barrier barrier_id(%barrier3A)
    %mul3A_20 = arith.constant 16 : i32
    %mul3A_21 = arith.muli %arg0, %mul3A_20 : i32
    %add3A_22 = arith.addi %mul3A_21, %arg1 : i32
    %mul3A_23 = arith.constant 10000 : i32
    %mul3A_24 = arith.muli %add3A_22, %mul3A_23 : i32
    %scan3A_25 = arith.constant 0 : i32
    %scan3A_26 = arith.constant 0 : i32
    %scan3A_27 = arith.constant 78 : i32
    %scan3A_28 = arith.addi %scan3A_26, %scan3A_27 : i32
    %scan3A_29 = arith.constant 1 : i32
    scf.for %scan3A_55 = %scan3A_26 to %scan3A_28 step %scan3A_29  : i32 {
      %mul3A_56 = arith.constant 128 : i32
      %mul3A_57 = arith.muli %scan3A_55, %mul3A_56 : i32
      %add3A_58 = arith.addi %mul3A_24, %mul3A_57 : i32
      "tpu.region"() ({
        %run_scoped3A = tpu.sem_alloc : memref<!tpu.dma_semaphore, #tpu.memory_space<semaphore_mem>>
        %dma_start3A_65 = tpu.memref_slice %arg3[%add3A_58] : memref<320000xi32, #tpu.memory_space<hbm>> -> memref<128xi32, #tpu.memory_space<hbm>>
        %dma_start3A_66 = tpu.memref_slice %arg3[%add3A_58] : memref<320000xi32, #tpu.memory_space<hbm>> -> memref<128xi32, #tpu.memory_space<hbm>>
        tpu.enqueue_dma source(%dma_start3A_66 : memref<128xi32, #tpu.memory_space<hbm>>) target(%arg6 : memref<128xi32, #tpu.memory_space<vmem>>) target_semaphore(%run_scoped3A : memref<!tpu.dma_semaphore, #tpu.memory_space<semaphore_mem>>)
        %dma_wait3A_67 = tpu.memref_slice %arg3[%add3A_58] : memref<320000xi32, #tpu.memory_space<hbm>> -> memref<128xi32, #tpu.memory_space<hbm>>
        %dma_wait3A_68 = tpu.memref_slice %arg3[%add3A_58] : memref<320000xi32, #tpu.memory_space<hbm>> -> memref<128xi32, #tpu.memory_space<hbm>>
        tpu.wait_dma2 semaphore(%run_scoped3A : memref<!tpu.dma_semaphore, #tpu.memory_space<semaphore_mem>>) src(%dma_wait3A_68 : memref<128xi32, #tpu.memory_space<hbm>>) dst(%arg6 : memref<128xi32, #tpu.memory_space<vmem>>)
        tpu.yield
      }) : () -> ()
      "tpu.region"() ({
        %run_scoped3A = tpu.sem_alloc : memref<!tpu.dma_semaphore, #tpu.memory_space<semaphore_mem>>
        %dma_start3A_65 = tpu.memref_slice %arg4[%add3A_58] : memref<320000xi32, #tpu.memory_space<hbm>> -> memref<128xi32, #tpu.memory_space<hbm>>
        %dma_start3A_66 = tpu.memref_slice %arg4[%add3A_58] : memref<320000xi32, #tpu.memory_space<hbm>> -> memref<128xi32, #tpu.memory_space<hbm>>
        tpu.enqueue_dma source(%dma_start3A_66 : memref<128xi32, #tpu.memory_space<hbm>>) target(%arg7 : memref<128xi32, #tpu.memory_space<vmem>>) target_semaphore(%run_scoped3A : memref<!tpu.dma_semaphore, #tpu.memory_space<semaphore_mem>>)
        %dma_wait3A_67 = tpu.memref_slice %arg4[%add3A_58] : memref<320000xi32, #tpu.memory_space<hbm>> -> memref<128xi32, #tpu.memory_space<hbm>>
        %dma_wait3A_68 = tpu.memref_slice %arg4[%add3A_58] : memref<320000xi32, #tpu.memory_space<hbm>> -> memref<128xi32, #tpu.memory_space<hbm>>
        tpu.wait_dma2 semaphore(%run_scoped3A : memref<!tpu.dma_semaphore, #tpu.memory_space<semaphore_mem>>) src(%dma_wait3A_68 : memref<128xi32, #tpu.memory_space<hbm>>) dst(%arg7 : memref<128xi32, #tpu.memory_space<vmem>>)
        tpu.yield
      }) : () -> ()
      %dma_start3A_59 = arith.constant 0 : i32
      %dma_start3A_60 = arith.constant 0 : i32
      %dma_start3A_61 = tpu.memref_slice %arg2[%dma_start3A_59, %dma_start3A_60] : memref<10000x128xf32, #tpu.memory_space<hbm>> -> memref<10000x128xf32, #tpu.memory_space<hbm>>
      tpu.enqueue_indirect_dma source(%dma_start3A_61 : memref<10000x128xf32, #tpu.memory_space<hbm>>) target(%arg8 : memref<128x128xf32, #tpu.memory_space<vmem>>) offsets(%arg6 : memref<128xi32, #tpu.memory_space<vmem>>) semaphore(%arg14 : memref<!tpu.dma_semaphore, #tpu.memory_space<semaphore_mem>>)
      %dma_wait3A_62 = arith.constant 0 : i32
      %dma_wait3A_63 = arith.constant 0 : i32
      %dma_wait3A_64 = tpu.memref_slice %arg2[%dma_wait3A_62, %dma_wait3A_63] : memref<10000x128xf32, #tpu.memory_space<hbm>> -> memref<10000x128xf32, #tpu.memory_space<hbm>>
      tpu.wait_indirect_dma semaphore(%arg14 : memref<!tpu.dma_semaphore, #tpu.memory_space<semaphore_mem>>) src(%dma_wait3A_64 : memref<10000x128xf32, #tpu.memory_space<hbm>>) dst(%arg8 : memref<128x128xf32, #tpu.memory_space<vmem>>)
      "tpu.region"() ({
        %run_scoped3A = tpu.sem_alloc : memref<!tpu.dma_semaphore, #tpu.memory_space<semaphore_mem>>
        %dma_start3A_65 = arith.constant 0 : i32
        %dma_start3A_66 = arith.constant 0 : i32
        %dma_start3A_67 = tpu.memref_slice %arg13[%dma_start3A_65, %dma_start3A_66] : memref<10000x128xf32, #tpu.memory_space<vmem_shared>> -> memref<10000x128xf32, #tpu.memory_space<vmem_shared>>
        tpu.enqueue_indirect_dma source(%arg8 : memref<128x128xf32, #tpu.memory_space<vmem>>) target(%dma_start3A_67 : memref<10000x128xf32, #tpu.memory_space<vmem_shared>>) offsets(%arg7 : memref<128xi32, #tpu.memory_space<vmem>>) semaphore(%run_scoped3A : memref<!tpu.dma_semaphore, #tpu.memory_space<semaphore_mem>>) {add = true}
        %dma_wait3A_68 = arith.constant 0 : i32
        %dma_wait3A_69 = arith.constant 0 : i32
        %dma_wait3A_70 = tpu.memref_slice %arg13[%dma_wait3A_68, %dma_wait3A_69] : memref<10000x128xf32, #tpu.memory_space<vmem_shared>> -> memref<10000x128xf32, #tpu.memory_space<vmem_shared>>
        tpu.wait_indirect_dma semaphore(%run_scoped3A : memref<!tpu.dma_semaphore, #tpu.memory_space<semaphore_mem>>) src(%arg8 : memref<128x128xf32, #tpu.memory_space<vmem>>) dst(%dma_wait3A_70 : memref<10000x128xf32, #tpu.memory_space<vmem_shared>>)
        tpu.yield
      }) : () -> ()
    }
    %scan3A_30 = arith.constant 78 : i32
    %add3A_31 = arith.constant 9984 : i32
    %add3A_32 = arith.addi %mul3A_24, %add3A_31 : i32
    "tpu.region"() ({
      %run_scoped3A = tpu.sem_alloc : memref<!tpu.dma_semaphore, #tpu.memory_space<semaphore_mem>>
      %dma_start3A_55 = tpu.memref_slice %arg3[%add3A_32] : memref<320000xi32, #tpu.memory_space<hbm>> -> memref<16xi32, #tpu.memory_space<hbm>>
      %dma_start3A_56 = tpu.memref_slice %arg3[%add3A_32] : memref<320000xi32, #tpu.memory_space<hbm>> -> memref<16xi32, #tpu.memory_space<hbm>>
      tpu.enqueue_dma source(%dma_start3A_56 : memref<16xi32, #tpu.memory_space<hbm>>) target(%arg9 : memref<16xi32, #tpu.memory_space<vmem>>) target_semaphore(%run_scoped3A : memref<!tpu.dma_semaphore, #tpu.memory_space<semaphore_mem>>)
      %dma_wait3A_57 = tpu.memref_slice %arg3[%add3A_32] : memref<320000xi32, #tpu.memory_space<hbm>> -> memref<16xi32, #tpu.memory_space<hbm>>
      %dma_wait3A_58 = tpu.memref_slice %arg3[%add3A_32] : memref<320000xi32, #tpu.memory_space<hbm>> -> memref<16xi32, #tpu.memory_space<hbm>>
      tpu.wait_dma2 semaphore(%run_scoped3A : memref<!tpu.dma_semaphore, #tpu.memory_space<semaphore_mem>>) src(%dma_wait3A_58 : memref<16xi32, #tpu.memory_space<hbm>>) dst(%arg9 : memref<16xi32, #tpu.memory_space<vmem>>)
      tpu.yield
    }) : () -> ()
    "tpu.region"() ({
      %run_scoped3A = tpu.sem_alloc : memref<!tpu.dma_semaphore, #tpu.memory_space<semaphore_mem>>
      %dma_start3A_55 = tpu.memref_slice %arg4[%add3A_32] : memref<320000xi32, #tpu.memory_space<hbm>> -> memref<16xi32, #tpu.memory_space<hbm>>
      %dma_start3A_56 = tpu.memref_slice %arg4[%add3A_32] : memref<320000xi32, #tpu.memory_space<hbm>> -> memref<16xi32, #tpu.memory_space<hbm>>
      tpu.enqueue_dma source(%dma_start3A_56 : memref<16xi32, #tpu.memory_space<hbm>>) target(%arg10 : memref<16xi32, #tpu.memory_space<vmem>>) target_semaphore(%run_scoped3A : memref<!tpu.dma_semaphore, #tpu.memory_space<semaphore_mem>>)
      %dma_wait3A_57 = tpu.memref_slice %arg4[%add3A_32] : memref<320000xi32, #tpu.memory_space<hbm>> -> memref<16xi32, #tpu.memory_space<hbm>>
      %dma_wait3A_58 = tpu.memref_slice %arg4[%add3A_32] : memref<320000xi32, #tpu.memory_space<hbm>> -> memref<16xi32, #tpu.memory_space<hbm>>
      tpu.wait_dma2 semaphore(%run_scoped3A : memref<!tpu.dma_semaphore, #tpu.memory_space<semaphore_mem>>) src(%dma_wait3A_58 : memref<16xi32, #tpu.memory_space<hbm>>) dst(%arg10 : memref<16xi32, #tpu.memory_space<vmem>>)
      tpu.yield
    }) : () -> ()
    %dma_start3A = arith.constant 0 : i32
    %dma_start3A_33 = arith.constant 0 : i32
    %dma_start3A_34 = tpu.memref_slice %arg2[%dma_start3A, %dma_start3A_33] : memref<10000x128xf32, #tpu.memory_space<hbm>> -> memref<10000x128xf32, #tpu.memory_space<hbm>>
    tpu.enqueue_indirect_dma source(%dma_start3A_34 : memref<10000x128xf32, #tpu.memory_space<hbm>>) target(%arg11 : memref<16x128xf32, #tpu.memory_space<vmem>>) offsets(%arg9 : memref<16xi32, #tpu.memory_space<vmem>>) semaphore(%arg14 : memref<!tpu.dma_semaphore, #tpu.memory_space<semaphore_mem>>)
    %dma_wait3A = arith.constant 0 : i32
    %dma_wait3A_35 = arith.constant 0 : i32
    %dma_wait3A_36 = tpu.memref_slice %arg2[%dma_wait3A, %dma_wait3A_35] : memref<10000x128xf32, #tpu.memory_space<hbm>> -> memref<10000x128xf32, #tpu.memory_space<hbm>>
    tpu.wait_indirect_dma semaphore(%arg14 : memref<!tpu.dma_semaphore, #tpu.memory_space<semaphore_mem>>) src(%dma_wait3A_36 : memref<10000x128xf32, #tpu.memory_space<hbm>>) dst(%arg11 : memref<16x128xf32, #tpu.memory_space<vmem>>)
    "tpu.region"() ({
      %run_scoped3A = tpu.sem_alloc : memref<!tpu.dma_semaphore, #tpu.memory_space<semaphore_mem>>
      %dma_start3A_55 = arith.constant 0 : i32
      %dma_start3A_56 = arith.constant 0 : i32
      %dma_start3A_57 = tpu.memref_slice %arg13[%dma_start3A_55, %dma_start3A_56] : memref<10000x128xf32, #tpu.memory_space<vmem_shared>> -> memref<10000x128xf32, #tpu.memory_space<vmem_shared>>
      tpu.enqueue_indirect_dma source(%arg11 : memref<16x128xf32, #tpu.memory_space<vmem>>) target(%dma_start3A_57 : memref<10000x128xf32, #tpu.memory_space<vmem_shared>>) offsets(%arg10 : memref<16xi32, #tpu.memory_space<vmem>>) semaphore(%run_scoped3A : memref<!tpu.dma_semaphore, #tpu.memory_space<semaphore_mem>>) {add = true}
      %dma_wait3A_58 = arith.constant 0 : i32
      %dma_wait3A_59 = arith.constant 0 : i32
      %dma_wait3A_60 = tpu.memref_slice %arg13[%dma_wait3A_58, %dma_wait3A_59] : memref<10000x128xf32, #tpu.memory_space<vmem_shared>> -> memref<10000x128xf32, #tpu.memory_space<vmem_shared>>
      tpu.wait_indirect_dma semaphore(%run_scoped3A : memref<!tpu.dma_semaphore, #tpu.memory_space<semaphore_mem>>) src(%arg11 : memref<16x128xf32, #tpu.memory_space<vmem>>) dst(%dma_wait3A_60 : memref<10000x128xf32, #tpu.memory_space<vmem_shared>>)
      tpu.yield
    }) : () -> ()
    %barrier3A_37 = arith.constant 0 : index
    tpu.barrier barrier_id(%barrier3A_37)
    %add3A_38 = arith.constant 0 : i32
    %add3A_39 = arith.addi %mul3A_6, %add3A_38 : i32
    "tpu.region"() ({
      %run_scoped3A = tpu.sem_alloc : memref<!tpu.dma_semaphore, #tpu.memory_space<semaphore_mem>>
      %dma_start3A_55 = arith.constant 0 : i32
      %dma_start3A_56 = tpu.memref_slice %arg5[%arg0, %add3A_39, %dma_start3A_55] : memref<2x10000x128xf32, #tpu.memory_space<hbm>> -> memref<1x104x128xf32, #tpu.memory_space<hbm>>
      %dma_start3A_57 = tpu.memref_squeeze %dma_start3A_56 : memref<1x104x128xf32, #tpu.memory_space<hbm>> -> memref<104x128xf32, #tpu.memory_space<hbm>>
      %dma_start3A_58 = arith.constant 0 : i32
      %dma_start3A_59 = tpu.memref_slice %arg13[%add3A_39, %dma_start3A_58] : memref<10000x128xf32, #tpu.memory_space<vmem_shared>> -> memref<104x128xf32, #tpu.memory_space<vmem_shared>>
      tpu.enqueue_dma source(%dma_start3A_59 : memref<104x128xf32, #tpu.memory_space<vmem_shared>>) target(%dma_start3A_57 : memref<104x128xf32, #tpu.memory_space<hbm>>) target_semaphore(%run_scoped3A : memref<!tpu.dma_semaphore, #tpu.memory_space<semaphore_mem>>)
      %dma_wait3A_60 = arith.constant 0 : i32
      %dma_wait3A_61 = tpu.memref_slice %arg5[%arg0, %add3A_39, %dma_wait3A_60] : memref<2x10000x128xf32, #tpu.memory_space<hbm>> -> memref<1x104x128xf32, #tpu.memory_space<hbm>>
      %dma_wait3A_62 = tpu.memref_squeeze %dma_wait3A_61 : memref<1x104x128xf32, #tpu.memory_space<hbm>> -> memref<104x128xf32, #tpu.memory_space<hbm>>
      %dma_wait3A_63 = arith.constant 0 : i32
      %dma_wait3A_64 = tpu.memref_slice %arg13[%add3A_39, %dma_wait3A_63] : memref<10000x128xf32, #tpu.memory_space<vmem_shared>> -> memref<104x128xf32, #tpu.memory_space<vmem_shared>>
      tpu.wait_dma2 semaphore(%run_scoped3A : memref<!tpu.dma_semaphore, #tpu.memory_space<semaphore_mem>>) src(%dma_wait3A_64 : memref<104x128xf32, #tpu.memory_space<vmem_shared>>) dst(%dma_wait3A_62 : memref<104x128xf32, #tpu.memory_space<hbm>>)
      tpu.yield
    }) : () -> ()
    %add3A_40 = arith.constant 104 : i32
    %add3A_41 = arith.addi %mul3A_6, %add3A_40 : i32
    "tpu.region"() ({
      %run_scoped3A = tpu.sem_alloc : memref<!tpu.dma_semaphore, #tpu.memory_space<semaphore_mem>>
      %dma_start3A_55 = arith.constant 0 : i32
      %dma_start3A_56 = tpu.memref_slice %arg5[%arg0, %add3A_41, %dma_start3A_55] : memref<2x10000x128xf32, #tpu.memory_space<hbm>> -> memref<1x104x128xf32, #tpu.memory_space<hbm>>
      %dma_start3A_57 = tpu.memref_squeeze %dma_start3A_56 : memref<1x104x128xf32, #tpu.memory_space<hbm>> -> memref<104x128xf32, #tpu.memory_space<hbm>>
      %dma_start3A_58 = arith.constant 0 : i32
      %dma_start3A_59 = tpu.memref_slice %arg13[%add3A_41, %dma_start3A_58] : memref<10000x128xf32, #tpu.memory_space<vmem_shared>> -> memref<104x128xf32, #tpu.memory_space<vmem_shared>>
      tpu.enqueue_dma source(%dma_start3A_59 : memref<104x128xf32, #tpu.memory_space<vmem_shared>>) target(%dma_start3A_57 : memref<104x128xf32, #tpu.memory_space<hbm>>) target_semaphore(%run_scoped3A : memref<!tpu.dma_semaphore, #tpu.memory_space<semaphore_mem>>)
      %dma_wait3A_60 = arith.constant 0 : i32
      %dma_wait3A_61 = tpu.memref_slice %arg5[%arg0, %add3A_41, %dma_wait3A_60] : memref<2x10000x128xf32, #tpu.memory_space<hbm>> -> memref<1x104x128xf32, #tpu.memory_space<hbm>>
      %dma_wait3A_62 = tpu.memref_squeeze %dma_wait3A_61 : memref<1x104x128xf32, #tpu.memory_space<hbm>> -> memref<104x128xf32, #tpu.memory_space<hbm>>
      %dma_wait3A_63 = arith.constant 0 : i32
      %dma_wait3A_64 = tpu.memref_slice %arg13[%add3A_41, %dma_wait3A_63] : memref<10000x128xf32, #tpu.memory_space<vmem_shared>> -> memref<104x128xf32, #tpu.memory_space<vmem_shared>>
      tpu.wait_dma2 semaphore(%run_scoped3A : memref<!tpu.dma_semaphore, #tpu.memory_space<semaphore_mem>>) src(%dma_wait3A_64 : memref<104x128xf32, #tpu.memory_space<vmem_shared>>) dst(%dma_wait3A_62 : memref<104x128xf32, #tpu.memory_space<hbm>>)
      tpu.yield
    }) : () -> ()
    %add3A_42 = arith.constant 208 : i32
    %add3A_43 = arith.addi %mul3A_6, %add3A_42 : i32
    "tpu.region"() ({
      %run_scoped3A = tpu.sem_alloc : memref<!tpu.dma_semaphore, #tpu.memory_space<semaphore_mem>>
      %dma_start3A_55 = arith.constant 0 : i32
      %dma_start3A_56 = tpu.memref_slice %arg5[%arg0, %add3A_43, %dma_start3A_55] : memref<2x10000x128xf32, #tpu.memory_space<hbm>> -> memref<1x104x128xf32, #tpu.memory_space<hbm>>
      %dma_start3A_57 = tpu.memref_squeeze %dma_start3A_56 : memref<1x104x128xf32, #tpu.memory_space<hbm>> -> memref<104x128xf32, #tpu.memory_space<hbm>>
      %dma_start3A_58 = arith.constant 0 : i32
      %dma_start3A_59 = tpu.memref_slice %arg13[%add3A_43, %dma_start3A_58] : memref<10000x128xf32, #tpu.memory_space<vmem_shared>> -> memref<104x128xf32, #tpu.memory_space<vmem_shared>>
      tpu.enqueue_dma source(%dma_start3A_59 : memref<104x128xf32, #tpu.memory_space<vmem_shared>>) target(%dma_start3A_57 : memref<104x128xf32, #tpu.memory_space<hbm>>) target_semaphore(%run_scoped3A : memref<!tpu.dma_semaphore, #tpu.memory_space<semaphore_mem>>)
      %dma_wait3A_60 = arith.constant 0 : i32
      %dma_wait3A_61 = tpu.memref_slice %arg5[%arg0, %add3A_43, %dma_wait3A_60] : memref<2x10000x128xf32, #tpu.memory_space<hbm>> -> memref<1x104x128xf32, #tpu.memory_space<hbm>>
      %dma_wait3A_62 = tpu.memref_squeeze %dma_wait3A_61 : memref<1x104x128xf32, #tpu.memory_space<hbm>> -> memref<104x128xf32, #tpu.memory_space<hbm>>
      %dma_wait3A_63 = arith.constant 0 : i32
      %dma_wait3A_64 = tpu.memref_slice %arg13[%add3A_43, %dma_wait3A_63] : memref<10000x128xf32, #tpu.memory_space<vmem_shared>> -> memref<104x128xf32, #tpu.memory_space<vmem_shared>>
      tpu.wait_dma2 semaphore(%run_scoped3A : memref<!tpu.dma_semaphore, #tpu.memory_space<semaphore_mem>>) src(%dma_wait3A_64 : memref<104x128xf32, #tpu.memory_space<vmem_shared>>) dst(%dma_wait3A_62 : memref<104x128xf32, #tpu.memory_space<hbm>>)
      tpu.yield
    }) : () -> ()
    %add3A_44 = arith.constant 312 : i32
    %add3A_45 = arith.addi %mul3A_6, %add3A_44 : i32
    "tpu.region"() ({
      %run_scoped3A = tpu.sem_alloc : memref<!tpu.dma_semaphore, #tpu.memory_space<semaphore_mem>>
      %dma_start3A_55 = arith.constant 0 : i32
      %dma_start3A_56 = tpu.memref_slice %arg5[%arg0, %add3A_45, %dma_start3A_55] : memref<2x10000x128xf32, #tpu.memory_space<hbm>> -> memref<1x104x128xf32, #tpu.memory_space<hbm>>
      %dma_start3A_57 = tpu.memref_squeeze %dma_start3A_56 : memref<1x104x128xf32, #tpu.memory_space<hbm>> -> memref<104x128xf32, #tpu.memory_space<hbm>>
      %dma_start3A_58 = arith.constant 0 : i32
      %dma_start3A_59 = tpu.memref_slice %arg13[%add3A_45, %dma_start3A_58] : memref<10000x128xf32, #tpu.memory_space<vmem_shared>> -> memref<104x128xf32, #tpu.memory_space<vmem_shared>>
      tpu.enqueue_dma source(%dma_start3A_59 : memref<104x128xf32, #tpu.memory_space<vmem_shared>>) target(%dma_start3A_57 : memref<104x128xf32, #tpu.memory_space<hbm>>) target_semaphore(%run_scoped3A : memref<!tpu.dma_semaphore, #tpu.memory_space<semaphore_mem>>)
      %dma_wait3A_60 = arith.constant 0 : i32
      %dma_wait3A_61 = tpu.memref_slice %arg5[%arg0, %add3A_45, %dma_wait3A_60] : memref<2x10000x128xf32, #tpu.memory_space<hbm>> -> memref<1x104x128xf32, #tpu.memory_space<hbm>>
      %dma_wait3A_62 = tpu.memref_squeeze %dma_wait3A_61 : memref<1x104x128xf32, #tpu.memory_space<hbm>> -> memref<104x128xf32, #tpu.memory_space<hbm>>
      %dma_wait3A_63 = arith.constant 0 : i32
      %dma_wait3A_64 = tpu.memref_slice %arg13[%add3A_45, %dma_wait3A_63] : memref<10000x128xf32, #tpu.memory_space<vmem_shared>> -> memref<104x128xf32, #tpu.memory_space<vmem_shared>>
      tpu.wait_dma2 semaphore(%run_scoped3A : memref<!tpu.dma_semaphore, #tpu.memory_space<semaphore_mem>>) src(%dma_wait3A_64 : memref<104x128xf32, #tpu.memory_space<vmem_shared>>) dst(%dma_wait3A_62 : memref<104x128xf32, #tpu.memory_space<hbm>>)
      tpu.yield
    }) : () -> ()
    %add3A_46 = arith.constant 416 : i32
    %add3A_47 = arith.addi %mul3A_6, %add3A_46 : i32
    "tpu.region"() ({
      %run_scoped3A = tpu.sem_alloc : memref<!tpu.dma_semaphore, #tpu.memory_space<semaphore_mem>>
      %dma_start3A_55 = arith.constant 0 : i32
      %dma_start3A_56 = tpu.memref_slice %arg5[%arg0, %add3A_47, %dma_start3A_55] : memref<2x10000x128xf32, #tpu.memory_space<hbm>> -> memref<1x104x128xf32, #tpu.memory_space<hbm>>
      %dma_start3A_57 = tpu.memref_squeeze %dma_start3A_56 : memref<1x104x128xf32, #tpu.memory_space<hbm>> -> memref<104x128xf32, #tpu.memory_space<hbm>>
      %dma_start3A_58 = arith.constant 0 : i32
      %dma_start3A_59 = tpu.memref_slice %arg13[%add3A_47, %dma_start3A_58] : memref<10000x128xf32, #tpu.memory_space<vmem_shared>> -> memref<104x128xf32, #tpu.memory_space<vmem_shared>>
      tpu.enqueue_dma source(%dma_start3A_59 : memref<104x128xf32, #tpu.memory_space<vmem_shared>>) target(%dma_start3A_57 : memref<104x128xf32, #tpu.memory_space<hbm>>) target_semaphore(%run_scoped3A : memref<!tpu.dma_semaphore, #tpu.memory_space<semaphore_mem>>)
      %dma_wait3A_60 = arith.constant 0 : i32
      %dma_wait3A_61 = tpu.memref_slice %arg5[%arg0, %add3A_47, %dma_wait3A_60] : memref<2x10000x128xf32, #tpu.memory_space<hbm>> -> memref<1x104x128xf32, #tpu.memory_space<hbm>>
      %dma_wait3A_62 = tpu.memref_squeeze %dma_wait3A_61 : memref<1x104x128xf32, #tpu.memory_space<hbm>> -> memref<104x128xf32, #tpu.memory_space<hbm>>
      %dma_wait3A_63 = arith.constant 0 : i32
      %dma_wait3A_64 = tpu.memref_slice %arg13[%add3A_47, %dma_wait3A_63] : memref<10000x128xf32, #tpu.memory_space<vmem_shared>> -> memref<104x128xf32, #tpu.memory_space<vmem_shared>>
      tpu.wait_dma2 semaphore(%run_scoped3A : memref<!tpu.dma_semaphore, #tpu.memory_space<semaphore_mem>>) src(%dma_wait3A_64 : memref<104x128xf32, #tpu.memory_space<vmem_shared>>) dst(%dma_wait3A_62 : memref<104x128xf32, #tpu.memory_space<hbm>>)
      tpu.yield
    }) : () -> ()
    %add3A_48 = arith.constant 520 : i32
    %add3A_49 = arith.addi %mul3A_6, %add3A_48 : i32
    "tpu.region"() ({
      %run_scoped3A = tpu.sem_alloc : memref<!tpu.dma_semaphore, #tpu.memory_space<semaphore_mem>>
      %dma_start3A_55 = arith.constant 0 : i32
      %dma_start3A_56 = tpu.memref_slice %arg5[%arg0, %add3A_49, %dma_start3A_55] : memref<2x10000x128xf32, #tpu.memory_space<hbm>> -> memref<1x104x128xf32, #tpu.memory_space<hbm>>
      %dma_start3A_57 = tpu.memref_squeeze %dma_start3A_56 : memref<1x104x128xf32, #tpu.memory_space<hbm>> -> memref<104x128xf32, #tpu.memory_space<hbm>>
      %dma_start3A_58 = arith.constant 0 : i32
      %dma_start3A_59 = tpu.memref_slice %arg13[%add3A_49, %dma_start3A_58] : memref<10000x128xf32, #tpu.memory_space<vmem_shared>> -> memref<104x128xf32, #tpu.memory_space<vmem_shared>>
      tpu.enqueue_dma source(%dma_start3A_59 : memref<104x128xf32, #tpu.memory_space<vmem_shared>>) target(%dma_start3A_57 : memref<104x128xf32, #tpu.memory_space<hbm>>) target_semaphore(%run_scoped3A : memref<!tpu.dma_semaphore, #tpu.memory_space<semaphore_mem>>)
      %dma_wait3A_60 = arith.constant 0 : i32
      %dma_wait3A_61 = tpu.memref_slice %arg5[%arg0, %add3A_49, %dma_wait3A_60] : memref<2x10000x128xf32, #tpu.memory_space<hbm>> -> memref<1x104x128xf32, #tpu.memory_space<hbm>>
      %dma_wait3A_62 = tpu.memref_squeeze %dma_wait3A_61 : memref<1x104x128xf32, #tpu.memory_space<hbm>> -> memref<104x128xf32, #tpu.memory_space<hbm>>
      %dma_wait3A_63 = arith.constant 0 : i32
      %dma_wait3A_64 = tpu.memref_slice %arg13[%add3A_49, %dma_wait3A_63] : memref<10000x128xf32, #tpu.memory_space<vmem_shared>> -> memref<104x128xf32, #tpu.memory_space<vmem_shared>>
      tpu.wait_dma2 semaphore(%run_scoped3A : memref<!tpu.dma_semaphore, #tpu.memory_space<semaphore_mem>>) src(%dma_wait3A_64 : memref<104x128xf32, #tpu.memory_space<vmem_shared>>) dst(%dma_wait3A_62 : memref<104x128xf32, #tpu.memory_space<hbm>>)
      tpu.yield
    }) : () -> ()
    %eq3A_50 = arith.constant 15 : i32
    %eq3A_51 = arith.cmpi eq, %arg1, %eq3A_50 : i32
    %convert_element_type3A_52 = arith.extui %eq3A_51 : i1 to i32
    %cond3A_53 = arith.constant 0 : i32
    %cond3A_54 = arith.cmpi ne, %convert_element_type3A_52, %cond3A_53 : i32
    scf.if %cond3A_54 {
      "tpu.region"() ({
        %run_scoped3A = tpu.sem_alloc : memref<!tpu.dma_semaphore, #tpu.memory_space<semaphore_mem>>
        %dma_start3A_55 = arith.constant 9984 : i32
        %dma_start3A_56 = arith.constant 0 : i32
        %dma_start3A_57 = tpu.memref_slice %arg5[%arg0, %dma_start3A_55, %dma_start3A_56] : memref<2x10000x128xf32, #tpu.memory_space<hbm>> -> memref<1x16x128xf32, #tpu.memory_space<hbm>>
        %dma_start3A_58 = tpu.memref_squeeze %dma_start3A_57 : memref<1x16x128xf32, #tpu.memory_space<hbm>> -> memref<16x128xf32, #tpu.memory_space<hbm>>
        %dma_start3A_59 = arith.constant 9984 : i32
        %dma_start3A_60 = arith.constant 0 : i32
        %dma_start3A_61 = tpu.memref_slice %arg13[%dma_start3A_59, %dma_start3A_60] : memref<10000x128xf32, #tpu.memory_space<vmem_shared>> -> memref<16x128xf32, #tpu.memory_space<vmem_shared>>
        tpu.enqueue_dma source(%dma_start3A_61 : memref<16x128xf32, #tpu.memory_space<vmem_shared>>) target(%dma_start3A_58 : memref<16x128xf32, #tpu.memory_space<hbm>>) target_semaphore(%run_scoped3A : memref<!tpu.dma_semaphore, #tpu.memory_space<semaphore_mem>>)
        %dma_wait3A_62 = arith.constant 9984 : i32
        %dma_wait3A_63 = arith.constant 0 : i32
        %dma_wait3A_64 = tpu.memref_slice %arg5[%arg0, %dma_wait3A_62, %dma_wait3A_63] : memref<2x10000x128xf32, #tpu.memory_space<hbm>> -> memref<1x16x128xf32, #tpu.memory_space<hbm>>
        %dma_wait3A_65 = tpu.memref_squeeze %dma_wait3A_64 : memref<1x16x128xf32, #tpu.memory_space<hbm>> -> memref<16x128xf32, #tpu.memory_space<hbm>>
        %dma_wait3A_66 = arith.constant 9984 : i32
        %dma_wait3A_67 = arith.constant 0 : i32
        %dma_wait3A_68 = tpu.memref_slice %arg13[%dma_wait3A_66, %dma_wait3A_67] : memref<10000x128xf32, #tpu.memory_space<vmem_shared>> -> memref<16x128xf32, #tpu.memory_space<vmem_shared>>
        tpu.wait_dma2 semaphore(%run_scoped3A : memref<!tpu.dma_semaphore, #tpu.memory_space<semaphore_mem>>) src(%dma_wait3A_68 : memref<16x128xf32, #tpu.memory_space<vmem_shared>>) dst(%dma_wait3A_65 : memref<16x128xf32, #tpu.memory_space<hbm>>)
        tpu.yield
      }) : () -> ()
    } else {
    }
    return
  }
}

module attributes {stable_mosaic.version = 14 : i64} {
  func.func @body(%arg0: i32, %arg1: memref<2000x128xf32, #tpu.memory_space<vmem>>, %arg2: memref<2x2000x128xf32, #tpu.memory_space<vmem>>, %arg3: memref<2000x1xi32, #tpu.memory_space<vmem>>, %arg4: memref<128x128xf32, #tpu.memory_space<vmem>>, %arg5: memref<1x128xf32, #tpu.memory_space<vmem>>, %arg6: memref<128x128xf32, #tpu.memory_space<vmem>>, %arg7: memref<1x128xf32, #tpu.memory_space<vmem>>, %arg8: memref<128x128xf32, #tpu.memory_space<vmem>>, %arg9: memref<1x128xf32, #tpu.memory_space<vmem>>, %arg10: memref<128x1xf32, #tpu.memory_space<vmem>>, %arg11: memref<1x1xf32, #tpu.memory_space<vmem>>, %arg12: memref<256x1xf32, #tpu.memory_space<vmem>>, %arg13: memref<256x128xf32, #tpu.memory_space<vmem>>, %arg14: memref<256x1xf32, #tpu.memory_space<vmem>>) attributes {dimension_semantics = [#tpu.dimension_semantics<arbitrary>], iteration_bounds = array<i64: 5>, scalar_prefetch = 0 : i64, scratch_operands = 2 : i64, tpu.core_type = #tpu.core_type<tc>, window_params = [{transform_indices = @transform_0, window_bounds = array<i64: 2000, 128>}, {transform_indices = @transform_1, window_bounds = array<i64: 2, 2000, 128>}, {transform_indices = @transform_2, window_bounds = array<i64: 2000, 1>}, {pipeline_mode = #tpu.pipeline_mode<synchronous>, transform_indices = @transform_3, window_bounds = array<i64: 128, 128>}, {pipeline_mode = #tpu.pipeline_mode<synchronous>, transform_indices = @transform_4, window_bounds = array<i64: 1, 128>}, {pipeline_mode = #tpu.pipeline_mode<synchronous>, transform_indices = @transform_5, window_bounds = array<i64: 128, 128>}, {pipeline_mode = #tpu.pipeline_mode<synchronous>, transform_indices = @transform_6, window_bounds = array<i64: 1, 128>}, {pipeline_mode = #tpu.pipeline_mode<synchronous>, transform_indices = @transform_7, window_bounds = array<i64: 128, 128>}, {pipeline_mode = #tpu.pipeline_mode<synchronous>, transform_indices = @transform_8, window_bounds = array<i64: 1, 128>}, {pipeline_mode = #tpu.pipeline_mode<synchronous>, transform_indices = @transform_9, window_bounds = array<i64: 128, 1>}, {pipeline_mode = #tpu.pipeline_mode<synchronous>, transform_indices = @transform_10, window_bounds = array<i64: 1, 1>}, {pipeline_mode = #tpu.pipeline_mode<synchronous>, transform_indices = @transform_11, window_bounds = array<i64: 256, 1>}]} {
    %get3A = arith.constant 0 : index
    %get3A_0 = arith.constant 0 : index
    %get3A_1 = vector.load %arg1[%get3A, %get3A_0] : memref<2000x128xf32, #tpu.memory_space<vmem>>, vector<2000x128xf32>
    %get3A_2 = arith.constant 0 : index
    %get3A_3 = arith.constant 0 : index
    %get3A_4 = arith.constant 0 : index
    %get3A_5 = vector.load %arg2[%get3A_2, %get3A_3, %get3A_4] : memref<2x2000x128xf32, #tpu.memory_space<vmem>>, vector<1x2000x128xf32>
    %get3A_6 = vector.shape_cast %get3A_5 : vector<1x2000x128xf32> to vector<2000x128xf32>
    %add3A = arith.addf %get3A_1, %get3A_6 : vector<2000x128xf32>
    %get3A_7 = arith.constant 1 : index
    %get3A_8 = arith.constant 0 : index
    %get3A_9 = arith.constant 0 : index
    %get3A_10 = vector.load %arg2[%get3A_7, %get3A_8, %get3A_9] : memref<2x2000x128xf32, #tpu.memory_space<vmem>>, vector<1x2000x128xf32>
    %get3A_11 = vector.shape_cast %get3A_10 : vector<1x2000x128xf32> to vector<2000x128xf32>
    %add3A_12 = arith.addf %add3A, %get3A_11 : vector<2000x128xf32>
    %get3A_13 = arith.constant 0 : index
    %get3A_14 = arith.constant 0 : index
    %get3A_15 = vector.load %arg4[%get3A_13, %get3A_14] : memref<128x128xf32, #tpu.memory_space<vmem>>, vector<128x128xf32>
    %dot_general3A = arith.constant dense<0.000000e+00> : vector<2000x128xf32>
    %dot_general3A_16 = tpu.matmul %add3A_12, %get3A_15, %dot_general3A {dimension_numbers = #tpu.dot_dimension_numbers<[1], [0], [0], [1], [0, 0, 1, 1], [], []>, transpose_lhs_hint = false} : vector<2000x128xf32>, vector<128x128xf32>, vector<2000x128xf32> -> vector<2000x128xf32>
    %get3A_17 = arith.constant 0 : index
    %get3A_18 = arith.constant 0 : index
    %get3A_19 = vector.load %arg5[%get3A_17, %get3A_18] : memref<1x128xf32, #tpu.memory_space<vmem>>, vector<1x128xf32>
    %add3A_20 = vector.broadcast %get3A_19 : vector<1x128xf32> to vector<2000x128xf32>
    %add3A_21 = arith.addf %dot_general3A_16, %add3A_20 : vector<2000x128xf32>
    %max3A = arith.constant 0.000000e+00 : f32
    %max3A_22 = vector.broadcast %max3A : f32 to vector<2000x128xf32>
    %max3A_23 = arith.maximumf %add3A_21, %max3A_22 : vector<2000x128xf32>
    %get3A_24 = arith.constant 0 : index
    %get3A_25 = arith.constant 0 : index
    %get3A_26 = vector.load %arg6[%get3A_24, %get3A_25] : memref<128x128xf32, #tpu.memory_space<vmem>>, vector<128x128xf32>
    %dot_general3A_27 = arith.constant dense<0.000000e+00> : vector<2000x128xf32>
    %dot_general3A_28 = tpu.matmul %max3A_23, %get3A_26, %dot_general3A_27 {dimension_numbers = #tpu.dot_dimension_numbers<[1], [0], [0], [1], [0, 0, 1, 1], [], []>, transpose_lhs_hint = false} : vector<2000x128xf32>, vector<128x128xf32>, vector<2000x128xf32> -> vector<2000x128xf32>
    %get3A_29 = arith.constant 0 : index
    %get3A_30 = arith.constant 0 : index
    %get3A_31 = vector.load %arg7[%get3A_29, %get3A_30] : memref<1x128xf32, #tpu.memory_space<vmem>>, vector<1x128xf32>
    %add3A_32 = vector.broadcast %get3A_31 : vector<1x128xf32> to vector<2000x128xf32>
    %add3A_33 = arith.addf %dot_general3A_28, %add3A_32 : vector<2000x128xf32>
    %get3A_34 = arith.constant 0 : index
    %get3A_35 = arith.constant 0 : index
    %get3A_36 = vector.load %arg3[%get3A_34, %get3A_35] : memref<2000x1xi32, #tpu.memory_space<vmem>>, vector<2000x1xi32>
    %reshape3A = vector.shape_cast %get3A_36 : vector<2000x1xi32> to vector<1x2000xi32>
    %iota3A = tpu.iota {dimensions = array<i32: 0>} : vector<256x2000xi32>
    %eq3A = vector.broadcast %reshape3A : vector<1x2000xi32> to vector<256x2000xi32>
    %eq3A_37 = arith.cmpi eq, %iota3A, %eq3A : vector<256x2000xi32>
    %convert_element_type3A = arith.extui %eq3A_37 : vector<256x2000xi1> to vector<256x2000xi32>
    %convert_element_type3A_38 = arith.sitofp %convert_element_type3A : vector<256x2000xi32> to vector<256x2000xf32>
    %dot_general3A_39 = arith.constant dense<0.000000e+00> : vector<256x128xf32>
    %dot_general3A_40 = tpu.matmul %convert_element_type3A_38, %add3A_33, %dot_general3A_39 {dimension_numbers = #tpu.dot_dimension_numbers<[1], [0], [0], [1], [0, 0, 1, 1], [], []>, transpose_lhs_hint = false} : vector<256x2000xf32>, vector<2000x128xf32>, vector<256x128xf32> -> vector<256x128xf32>
    %reduce_sum3A = arith.constant dense<0.000000e+00> : vector<256xf32>
    %reduce_sum3A_41 = vector.multi_reduction <add>, %convert_element_type3A_38, %reduce_sum3A [1] : vector<256x2000xf32> to vector<256xf32>
    %broadcast_in_dim3A = vector.shape_cast %reduce_sum3A_41 : vector<256xf32> to vector<256x1xf32>
    %eq3A_42 = arith.constant 0 : i32
    %eq3A_43 = arith.cmpi eq, %arg0, %eq3A_42 : i32
    %convert_element_type3A_44 = arith.extui %eq3A_43 : i1 to i32
    %cond3A = arith.constant 0 : i32
    %cond3A_45 = arith.cmpi ne, %convert_element_type3A_44, %cond3A : i32
    scf.if %cond3A_45 {
      %swap3A = arith.constant 0 : index
      %swap3A_55 = arith.constant 0 : index
      %swap3A_56 = vector.load %arg13[%swap3A, %swap3A_55] : memref<256x128xf32, #tpu.memory_space<vmem>>, vector<256x128xf32>
      tpu.vector_store %arg13[%swap3A, %swap3A_55], %dot_general3A_40 {strides = array<i32>} : memref<256x128xf32, #tpu.memory_space<vmem>>, vector<256x128xf32>,
      %swap3A_57 = arith.constant 0 : index
      %swap3A_58 = arith.constant 0 : index
      %swap3A_59 = vector.load %arg14[%swap3A_57, %swap3A_58] : memref<256x1xf32, #tpu.memory_space<vmem>>, vector<256x1xf32>
      tpu.vector_store %arg14[%swap3A_57, %swap3A_58], %broadcast_in_dim3A {strides = array<i32>} : memref<256x1xf32, #tpu.memory_space<vmem>>, vector<256x1xf32>,
    } else {
    }
    %gt3A = arith.constant 0 : i32
    %gt3A_46 = arith.cmpi sgt, %arg0, %gt3A : i32
    %convert_element_type3A_47 = arith.extui %gt3A_46 : i1 to i32
    %cond3A_48 = arith.constant 0 : i32
    %cond3A_49 = arith.cmpi ne, %convert_element_type3A_47, %cond3A_48 : i32
    scf.if %cond3A_49 {
      %get3A_55 = arith.constant 0 : index
      %get3A_56 = arith.constant 0 : index
      %get3A_57 = vector.load %arg13[%get3A_55, %get3A_56] : memref<256x128xf32, #tpu.memory_space<vmem>>, vector<256x128xf32>
      %add3A_58 = arith.addf %get3A_57, %dot_general3A_40 : vector<256x128xf32>
      %swap3A = arith.constant 0 : index
      %swap3A_59 = arith.constant 0 : index
      %swap3A_60 = vector.load %arg13[%swap3A, %swap3A_59] : memref<256x128xf32, #tpu.memory_space<vmem>>, vector<256x128xf32>
      tpu.vector_store %arg13[%swap3A, %swap3A_59], %add3A_58 {strides = array<i32>} : memref<256x128xf32, #tpu.memory_space<vmem>>, vector<256x128xf32>,
      %get3A_61 = arith.constant 0 : index
      %get3A_62 = arith.constant 0 : index
      %get3A_63 = vector.load %arg14[%get3A_61, %get3A_62] : memref<256x1xf32, #tpu.memory_space<vmem>>, vector<256x1xf32>
      %add3A_64 = arith.addf %get3A_63, %broadcast_in_dim3A : vector<256x1xf32>
      %swap3A_65 = arith.constant 0 : index
      %swap3A_66 = arith.constant 0 : index
      %swap3A_67 = vector.load %arg14[%swap3A_65, %swap3A_66] : memref<256x1xf32, #tpu.memory_space<vmem>>, vector<256x1xf32>
      tpu.vector_store %arg14[%swap3A_65, %swap3A_66], %add3A_64 {strides = array<i32>} : memref<256x1xf32, #tpu.memory_space<vmem>>, vector<256x1xf32>,
    } else {
    }
    %eq3A_50 = arith.constant 4 : i32
    %eq3A_51 = arith.cmpi eq, %arg0, %eq3A_50 : i32
    %convert_element_type3A_52 = arith.extui %eq3A_51 : i1 to i32
    %cond3A_53 = arith.constant 0 : i32
    %cond3A_54 = arith.cmpi ne, %convert_element_type3A_52, %cond3A_53 : i32
    scf.if %cond3A_54 {
      %get3A_55 = arith.constant 0 : index
      %get3A_56 = arith.constant 0 : index
      %get3A_57 = vector.load %arg13[%get3A_55, %get3A_56] : memref<256x128xf32, #tpu.memory_space<vmem>>, vector<256x128xf32>
      %get3A_58 = arith.constant 0 : index
      %get3A_59 = arith.constant 0 : index
      %get3A_60 = vector.load %arg14[%get3A_58, %get3A_59] : memref<256x1xf32, #tpu.memory_space<vmem>>, vector<256x1xf32>
      %max3A_61 = arith.constant 1.000000e+00 : f32
      %max3A_62 = vector.broadcast %max3A_61 : f32 to vector<256x1xf32>
      %max3A_63 = arith.maximumf %get3A_60, %max3A_62 : vector<256x1xf32>
      %div3A = vector.broadcast %max3A_63 : vector<256x1xf32> to vector<256x128xf32>
      %div3A_64 = arith.divf %get3A_57, %div3A : vector<256x128xf32>
      %get3A_65 = arith.constant 0 : index
      %get3A_66 = arith.constant 0 : index
      %get3A_67 = vector.load %arg8[%get3A_65, %get3A_66] : memref<128x128xf32, #tpu.memory_space<vmem>>, vector<128x128xf32>
      %dot_general3A_68 = arith.constant dense<0.000000e+00> : vector<256x128xf32>
      %dot_general3A_69 = tpu.matmul %div3A_64, %get3A_67, %dot_general3A_68 {dimension_numbers = #tpu.dot_dimension_numbers<[1], [0], [0], [1], [0, 0, 1, 1], [], []>, transpose_lhs_hint = false} : vector<256x128xf32>, vector<128x128xf32>, vector<256x128xf32> -> vector<256x128xf32>
      %get3A_70 = arith.constant 0 : index
      %get3A_71 = arith.constant 0 : index
      %get3A_72 = vector.load %arg9[%get3A_70, %get3A_71] : memref<1x128xf32, #tpu.memory_space<vmem>>, vector<1x128xf32>
      %add3A_73 = vector.broadcast %get3A_72 : vector<1x128xf32> to vector<256x128xf32>
      %add3A_74 = arith.addf %dot_general3A_69, %add3A_73 : vector<256x128xf32>
      %get3A_75 = arith.constant 0 : index
      %get3A_76 = arith.constant 0 : index
      %get3A_77 = vector.load %arg10[%get3A_75, %get3A_76] : memref<128x1xf32, #tpu.memory_space<vmem>>, vector<128x1xf32>
      %dot_general3A_78 = arith.constant dense<0.000000e+00> : vector<256x1xf32>
      %dot_general3A_79 = tpu.matmul %add3A_74, %get3A_77, %dot_general3A_78 {dimension_numbers = #tpu.dot_dimension_numbers<[1], [0], [0], [1], [0, 0, 1, 1], [], []>, transpose_lhs_hint = false} : vector<256x128xf32>, vector<128x1xf32>, vector<256x1xf32> -> vector<256x1xf32>
      %get3A_80 = arith.constant 0 : index
      %get3A_81 = arith.constant 0 : index
      %get3A_82 = vector.load %arg11[%get3A_80, %get3A_81] : memref<1x1xf32, #tpu.memory_space<vmem>>, vector<1x1xf32>
      %add3A_83 = vector.broadcast %get3A_82 : vector<1x1xf32> to vector<256x1xf32>
      %add3A_84 = arith.addf %dot_general3A_79, %add3A_83 : vector<256x1xf32>
      %swap3A = arith.constant 0 : index
      %swap3A_85 = arith.constant 0 : index
      %swap3A_86 = vector.load %arg12[%swap3A, %swap3A_85] : memref<256x1xf32, #tpu.memory_space<vmem>>, vector<256x1xf32>
      tpu.vector_store %arg12[%swap3A, %swap3A_85], %add3A_84 {strides = array<i32>} : memref<256x1xf32, #tpu.memory_space<vmem>>, vector<256x1xf32>,
    } else {
    }
    return
  }
  func.func @transform_0(%arg0: i32) -> (i32, i32) {
    %c0_i32 = arith.constant 0 : i32
    %c0_i32_0 = arith.constant 0 : i32
    return %arg0, %c0_i32 : i32, i32
  }
  func.func @transform_1(%arg0: i32) -> (i32, i32, i32) {
    %c0_i32 = arith.constant 0 : i32
    %c0_i32_0 = arith.constant 0 : i32
    %c0_i32_1 = arith.constant 0 : i32
    return %c0_i32, %arg0, %c0_i32_0 : i32, i32, i32
  }
  func.func @transform_2(%arg0: i32) -> (i32, i32) {
    %c0_i32 = arith.constant 0 : i32
    %c0_i32_0 = arith.constant 0 : i32
    return %arg0, %c0_i32 : i32, i32
  }
  func.func @transform_3(%arg0: i32) -> (i32, i32) {
    %c0_i32 = arith.constant 0 : i32
    %c0_i32_0 = arith.constant 0 : i32
    %c0_i32_1 = arith.constant 0 : i32
    return %c0_i32, %c0_i32_0 : i32, i32
  }
  func.func @transform_4(%arg0: i32) -> (i32, i32) {
    %c0_i32 = arith.constant 0 : i32
    %c0_i32_0 = arith.constant 0 : i32
    %c0_i32_1 = arith.constant 0 : i32
    return %c0_i32, %c0_i32_0 : i32, i32
  }
  func.func @transform_5(%arg0: i32) -> (i32, i32) {
    %c0_i32 = arith.constant 0 : i32
    %c0_i32_0 = arith.constant 0 : i32
    %c0_i32_1 = arith.constant 0 : i32
    return %c0_i32, %c0_i32_0 : i32, i32
  }
  func.func @transform_6(%arg0: i32) -> (i32, i32) {
    %c0_i32 = arith.constant 0 : i32
    %c0_i32_0 = arith.constant 0 : i32
    %c0_i32_1 = arith.constant 0 : i32
    return %c0_i32, %c0_i32_0 : i32, i32
  }
  func.func @transform_7(%arg0: i32) -> (i32, i32) {
    %c0_i32 = arith.constant 0 : i32
    %c0_i32_0 = arith.constant 0 : i32
    %c0_i32_1 = arith.constant 0 : i32
    return %c0_i32, %c0_i32_0 : i32, i32
  }
  func.func @transform_8(%arg0: i32) -> (i32, i32) {
    %c0_i32 = arith.constant 0 : i32
    %c0_i32_0 = arith.constant 0 : i32
    %c0_i32_1 = arith.constant 0 : i32
    return %c0_i32, %c0_i32_0 : i32, i32
  }
  func.func @transform_9(%arg0: i32) -> (i32, i32) {
    %c0_i32 = arith.constant 0 : i32
    %c0_i32_0 = arith.constant 0 : i32
    %c0_i32_1 = arith.constant 0 : i32
    return %c0_i32, %c0_i32_0 : i32, i32
  }
  func.func @transform_10(%arg0: i32) -> (i32, i32) {
    %c0_i32 = arith.constant 0 : i32
    %c0_i32_0 = arith.constant 0 : i32
    %c0_i32_1 = arith.constant 0 : i32
    return %c0_i32, %c0_i32_0 : i32, i32
  }
  func.func @transform_11(%arg0: i32) -> (i32, i32) {
    %c0_i32 = arith.constant 0 : i32
    %c0_i32_0 = arith.constant 0 : i32
    %c0_i32_1 = arith.constant 0 : i32
    return %c0_i32, %c0_i32_0 : i32, i32
  }
}

</mosaic_0001>

<sc_bundles>
// kernel: kernel.4.cloned.1.call-start
scs
__scs_entry_jumppad:
0x0: {  	(pc) =	sbr.rel $0x88, $3  }
0x1: {  	(tag) =	ssettag $0x0;
	lr =	simm.s32 $0x1  }
0x2: {  	[smem:$0x3F96] =	sst lr;
	_ =	strace $0xD0000000  }
0x3: {  	_ = 	snop  }
0x4: {  	_ = 	snop  }
0x5: {  	_ = 	snop  }
0x6: {  	_ = 	snop  }
0x7: {  	_ = 	snop  }
__scs_overlays_trampoline_lowered:
0x8: {  	[smem:$0x3FA5] =	sst s0  }
0x9: {  	[smem:$0x3FA6] =	sst s1  }
0xa: {  	[smem:$0x3FA7] =	sst s2  }
0xb: {  	[smem:$0x3FA8] =	sst s3  }
0xc: {  	[smem:$0x3FA9] =	sst s4  }
0xd: {  	[smem:$0x3FAA] =	sst s5  }
0xe: {  	[smem:$0x3FAB] =	sst s6  }
0xf: {  	[smem:$0x3FAC] =	sst s7  }
0x10: {  	[smem:$0x3FAD] =	sst s8  }
0x11: {  	[smem:$0x3FAE] =	sst s9;
	s0 =	simm.s32 @!p0 $0x0  }
0x12: {  	s1 =	sld [smem:$0x3F94];
	s0 =	simm.s32 @p0 $0x1  }
0x13: {  	[smem:$0x3FAF] =	sst s0;
	s0 =	simm.s32 @!p1 $0x0  }
0x14: {  	s2 =	sld [smem:$0x3F93];
	s0 =	simm.s32 @p1 $0x1  }
0x15: {  	[smem:$0x3FB0] =	sst s0;
	s0 =	simm.s32 @!p2 $0x0  }
0x16: {  	s3 =	sld [smem:$0x3FDB];
	s0 =	simm.s32 @p2 $0x1  }
0x17: {  	s4 =	simm.s32 $0x1BF5;
	[smem:$0x3FB2] =	sst s0  }
0x18: {  	s0 =	sld [smem:$0x3F95];
	_ =	swait.ge [sflag:s4], $0x0  }
0x19: {  	s7 =	sld [smem:$0x3F96]  }
0x1a: {  	s8 =	sadd.s32 $0xFFFFE003, lr  }
0x1b: {  	s9 =	sadd.s32 $0xFFFFFEF7, lr;
	s5 =	simm.s32 $0xFFFFFFFF;
	p2 =	slt.u32 s8, $0xFFFFF086  }
0x1c: {  	p1 =	slt.u32 s9, $0xF7A;
	s5 =	simm.s32 @!p2 $0x0  }
0x1d: {  	s5 =	simm.s32 @p1 $0x1;
	p0 =	seq.s32 s7, s2  }
0x1e: {  	s7 =	smul.u32 @!p0 $0xF7A, s2;
	p2 =	seq.s32 @!p0 s5, $0x0  }
0x1f: {  	s9 =	smul.u32 $0xF7A, s1;
	s8 =	simm.s32 @!p0 $0x1BF5;
	p2 =	por !p2, p0  }
0x20: {  	[sflag:s8] =	ssyncset.s32 @!p0 $0xFFFFF086;
	s6 =	sadd.s32 @!p0 s3, s7;
	s7 =	simm.s32 @!p0 $0x108  }
0x21: {  	s3 =	sadd.s32 s3, s9;
	s6 =	sadd.s32 @!p0 $0x88, s6;
	s7 =	simm.s32 @p2 $0x1082  }
0x22: {  	[simem:s7], [sflag:s8] =	dma.local @!p0 [hbm:s6], $0xF7A  }
0x23: {  	s9 =	sor.u32 $0xD0000000, s2;
	s6 =	simm.s32 $0x108;
	_ =	swait.ge @!p0 [sflag:s8], $0x0  }
0x24: {  	s3 =	sadd.s32 $0x88, s3;
	s6 =	simm.s32 @!p1 $0x1082;
	[sflag:s4] =	ssyncset.s32 $0xFFFFF086  }
0x25: {  	[simem:s6], [sflag:s4] =	dma.local [hbm:s3], $0xF7A  }
0x26: {  	[smem:$0x3F96] =	sst s1;
	(tag) =	ssettag s2;
	_ =	strace s9  }
0x27: {  	s1 =	sld [smem:$0x3FA6]  }
0x28: {  	s2 =	sld [smem:$0x3FA7]  }
0x29: {  	s4 =	sld [smem:$0x3FA9]  }
0x2a: {  	p0 =	seq.s32 s5, $0x0;
	s5 =	sld [smem:$0x3FAA]  }
0x2b: {  	s6 =	sld [smem:$0x3FAB]  }
0x2c: {  	s7 =	sld [smem:$0x3FAC]  }
0x2d: {  	s3 =	simm.s32 $0x108;
	s8 =	sld [smem:$0x3FAD]  }
0x2e: {  	s3 =	simm.s32 @!p0 $0x1082;
	s9 =	sld [smem:$0x3FAE]  }
0x2f: {  	lr =	sadd.s32 s0, s3;
	s0 =	sld [smem:$0x3FA5]  }
0x30: {  	s3 =	sld [smem:$0x3FA8]  }
0x31: {  	[smem:$0x3FB1] =	sst s10  }
0x32: {  	s10 =	sld [smem:$0x3FAF];
	_ =	sdelay $0x3  }
0x33: {  	p0 =	seq.s32 s10, $0x1;
	s10 =	sld [smem:$0x3FB1];
	_ =	sdelay $0x3  }
0x34: {  	[smem:$0x3FB1] =	sst s10  }
0x35: {  	s10 =	sld [smem:$0x3FB0];
	_ =	sdelay $0x3  }
0x36: {  	p1 =	seq.s32 s10, $0x1;
	s10 =	sld [smem:$0x3FB1];
	_ =	sdelay $0x3  }
0x37: {  	[smem:$0x3FB1] =	sst s10  }
0x38: {  	s10 =	sld [smem:$0x3FB2]  }
0x39: {  	_ = 	snop;
	(pc) =	sbr.ind lr, $3  }
0x3a: {  	_ = 	snop  }
0x3b: {  	_ = 	snop  }
0x3c: {  	p2 =	seq.s32 s10, $0x1;
	s10 =	sld [smem:$0x3FB1]  }
0x3d: {  	_ =	shalt  }
0x3e: {  	_ =	shalt  }
0x3f: {  	_ =	shalt  }
0x40: {  	_ =	shalt  }
0x41: {  	_ =	shalt  }
0x42: {  	_ =	shalt  }
0x43: {  	_ =	shalt  }
0x44: {  	_ =	shalt  }
0x45: {  	_ =	shalt  }
0x46: {  	_ =	shalt  }
0x47: {  	_ =	shalt  }
0x48: {  	_ =	shalt  }
0x49: {  	_ =	shalt  }
0x4a: {  	_ =	shalt  }
0x4b: {  	_ =	shalt  }
0x4c: {  	_ =	shalt  }
0x4d: {  	_ =	shalt  }
0x4e: {  	_ =	shalt  }
0x4f: {  	_ =	shalt  }
0x50: {  	_ =	shalt  }
0x51: {  	_ =	shalt  }
0x52: {  	_ =	shalt  }
0x53: {  	_ =	shalt  }
0x54: {  	_ =	shalt  }
0x55: {  	_ =	shalt  }
0x56: {  	_ =	shalt  }
0x57: {  	_ =	shalt  }
0x58: {  	_ =	shalt  }
0x59: {  	_ =	shalt  }
0x5a: {  	_ =	shalt  }
0x5b: {  	_ =	shalt  }
0x5c: {  	_ =	shalt  }
0x5d: {  	_ =	shalt  }
0x5e: {  	_ =	shalt  }
0x5f: {  	_ =	shalt  }
0x60: {  	_ =	shalt  }
0x61: {  	_ =	shalt  }
0x62: {  	_ =	shalt  }
0x63: {  	_ =	shalt  }
0x64: {  	_ =	shalt  }
0x65: {  	_ =	shalt  }
0x66: {  	_ =	shalt  }
0x67: {  	_ =	shalt  }
0x68: {  	_ =	shalt  }
0x69: {  	_ =	shalt  }
0x6a: {  	_ =	shalt  }
0x6b: {  	_ =	shalt  }
0x6c: {  	_ =	shalt  }
0x6d: {  	_ =	shalt  }
0x6e: {  	_ =	shalt  }
0x6f: {  	_ =	shalt  }
0x70: {  	_ =	shalt  }
0x71: {  	_ =	shalt  }
0x72: {  	_ =	shalt  }
0x73: {  	_ =	shalt  }
0x74: {  	_ =	shalt  }
0x75: {  	_ =	shalt  }
0x76: {  	_ =	shalt  }
0x77: {  	_ =	shalt  }
0x78: {  	_ =	shalt  }
0x79: {  	_ =	shalt  }
0x7a: {  	_ =	shalt  }
0x7b: {  	_ =	shalt  }
0x7c: {  	_ =	shalt  }
0x7d: {  	_ =	shalt  }
0x7e: {  	_ =	shalt  }
0x7f: {  	_ =	shalt  }
0x80: {  	_ =	shalt  }
0x81: {  	_ =	shalt  }
0x82: {  	_ =	shalt  }
0x83: {  	_ =	shalt  }
0x84: {  	_ =	shalt  }
0x85: {  	_ =	shalt  }
0x86: {  	_ =	shalt  }
0x87: {  	_ =	shalt  }
.Lfunc_end0:
.L_simem_size_0:
called_computation_lowered:
.L_overlay_start_0:
0x88: {  	s2 =	sld [smem:$0x3FD9]  }
0x89: {  	s3 =	sld [smem:$0x3FFE];
	_ =	sdelay $0x1  }
0x8a: {  	s1 =	srdreg.scid  }
0x8b: {  	s0 =	sand.u32 $0x1, s1  }
0x8c: {  	s17 =	sshll.u32 s0, $0xA;
	s2 =	sadd.s32 s3, s2  }
0x8d: {  	s2 =	sadd.s32 s2, s17  }
0x8e: {  	[smem:$0x3FBD] =	sst s2  }
0x8f: {  	_ = 	snop  }
0x90: {  	s2 =	sld [smem:$0x3FC9];
	(tm) =	ssettm $0x1  }
0x91: {  	s18 =	sld [smem:$0x3FFB];
	_ =	sdelay $0x3  }
0x92: {  	_ =	strace s18  }
0x93: {  	s3 =	sld [smem:$0x3FFC];
	_ =	sdelay $0x3  }
0x94: {  	_ =	strace s3  }
0x95: {  	s3 =	sld [smem:$0x3FFD];
	_ =	sdelay $0x3  }
0x96: {  	_ =	strace s3  }
0x97: {  	_ =	strace $0x8FFFFFFF  }
0x98: {  	s19 =	sld [smem:$0x3FDB];
	_ =	sdelay $0x1  }
0x99: {  	s4 =	simm.s32 $_scs_section_size  }
0x9a: {  	s5 =	simm.s32 $_size__tile_overlayer_lowered;
	s6 =	simm.s32 $_tile_overlayer_lowered  }
0x9b: {  	s22 =	simm.s32 $0x1BFF;
	s21 =	sshll.u32 s6, $0x1;
	s3 =	sadd.s32 s4, s19  }
0x9c: {  	s7 =	simm.s32 $0x0;
	s20 =	sshll.u32 s5, $0x1;
	s5 =	sadd.s32 s21, s3  }
0x9d: {  	[timem:s7], [sflag:s22] =	dma.local [hbm:s5], s20  }
0x9e: {  	_ =	swait.ge [sflag:s22], s20  }
0x9f: {  	s4 =	ssub.s32 $0x0, s20;
	[sflag:s22] =	ssyncset.done $0x0  }
0xa0: {  	[sflag:s22] =	ssyncadd.s32 s4;
	_ =	sdelay $0x1  }
0xa1: {  	s23 =	simm.s32 $0x1B8B  }
0xa2: {  	_ =	swait.ge [sflag:s23], $0x1  }
0xa3: {  	[sflag:s23] =	ssyncset.done $0x0  }
0xa4: {  	s25 =	simm.s32 $0x1B8E;
	s24 =	sld [smem:$0x3FFE];
	[sflag:s23] =	ssyncadd.s32 $0xFFFFFFFF  }
0xa5: {  	s26 =	simm.s32 $execute0_lowered;
	[smem:$0x3FD2] =	sst s25  }
0xa6: {  	s5 =	sshll.u32 s26, $0x1;
	_ =	strace $0x80000046;
	[dreg:$0x1] =	wrdreg $0xFFFFFFFF  }
0xa7: {  	s28 =	simm.s32 $_size_execute0_lowered;
	s3 =	sadd.s32 s3, s5;
	[dreg:$0x0] =	wrdreg $0x0  }
0xa8: {  	s5 =	sshll.u32 s28, $0x1;
	[dreg:$0x2] =	wrdreg s3  }
0xa9: {  	[dreg:$0x3] =	wrdreg s5  }
0xaa: {  	[dreg:$0x4] =	wrdreg $0xC0  }
0xab: {  	_ =	task [dreg:s7], $0x5FFFF  }
0xac: {  	[dreg:$0x1] =	wrdreg $0xFFFFFFFF  }
0xad: {  	[dreg:$0x0] =	wrdreg $0x60  }
0xae: {  	[dreg:$0x2] =	wrdreg s2  }
0xaf: {  	[dreg:$0x3] =	wrdreg s24  }
0xb0: {  	[dreg:$0x4] =	wrdreg $0x7E000  }
0xb1: {  	[dreg:$0x5] =	wrdreg $0x9  }
0xb2: {  	_ =	task.clear_ibuf [dreg:s7], $0x6FFFF;
	_ =	strace $0x90000046  }
0xb3: {  	s29 =	simm.s32 $0x9;
	_ =	strace $0x80000048  }
0xb4: {  	_ =	swait.ge [sflag:s29], $0x1  }
0xb5: {  	[sflag:s29] =	ssyncadd.s32 $0xFFFFFFFF  }
0xb6: {  	_ =	strace $0x90000048  }
0xb7: {  	_ =	sfence  }
0xb8: {  	s30 =	sld [smem:$0x0];
	_ =	sdelay $0x2  }
0xb9: {  	s31 =	sshll.u32 s1, $0xD;
	s1 =	sshrl.u32 s1, $0x2  }
0xba: {  	s3 =	sand.u32 $0x4000, s31;
	s1 =	sadd.s32 s1, s30  }
0xbb: {  	s0 =	sor.u32 s3, s0;
	s1 =	sshll.u32 s1, $0x11  }
0xbc: {  	s0 =	sor.u32 s1, s0  }
0xbd: {  	s0 =	sadd.s32 $0x8F2B, s0  }
0xbe: {  	[sflag:s0] =	ssyncadd.remote.s32 $0x1  }
0xbf: {  	_ =	sfence.sel $0xFFFF  }
0xc0: {  	[dreg:$0x0] =	wrdreg $0xFFFFFFFF;
	(pc) =	sbr.abs _section_cstart, $3  }
0xc1: {  	[dreg:$0x1] =	wrdreg $0xFFFFFFFF  }
0xc2: {  	_ =	task.clear_ibuf [dreg:s7], $0x2FFFF;
	_ =	strace $0x9FFFFFFF  }
0xc3: {  	(tm) =	ssettm $0x7FFFFFFF  }
tec
execute0_lowered:
.L_overlay_start_1:
0x0: {  	(tag) =	ssettag $0x1  }
0x1: {  	s1 =	rddreg [dreg:$0x0]  }
0x2: {  	s0 =	rddreg [dreg:$0x1]  }
0x3: {  	s2 =	rddreg [dreg:$0x2];
	s4 =	simm.s32 $0x0;
	s3 =	srdreg.scid  }
0x4: {  	s24 =	stileid.u32;
	s28 =	simm.s32 $0x100;
	s29 =	simm.s32 $0x1  }
0x5: {  	s30 =	simm.s32 $0x4100;
	s31 =	simm.s32 $0x4180;
	[smem:$0x7FF] =	sst s4  }
0x6: {  	s12 =	sadd.s32 $0xB400, s0;
	s3 =	sand.u32 $0x1, s3;
	s5 =	smul.u32 $0x4E000, s24  }
0x7: {  	s13 =	sadd.s32 $0x1600, s0;
	s0 =	sadd.s32 $0x15200, s0;
	s14 =	smul.u32 $0x13800, s24  }
0x8: {  	s23 =	smul.u32 $0x2710, s24;
	s11 =	sadd.s32 $0x138000, s2;
	p0 =	sne.s32 s24, $0xF  }
0x9: {  	_ =	strace $0x80000047;
	s6 =	ssub.s32 $0x2, s3;
	s19 =	smul.u32 $0x138800, s3  }
0xa: {  	s25 =	sshll.u32 s3, $0x4;
	s3 =	smul.u32 $0x27100, s3;
	s7 =	sshrl.u32 s6, $0x1  }
0xb: {  	s5 =	sshrl.u32 s5, $0x2;
	s15 =	sadd.s32 $0x3400, s14;
	s16 =	sadd.s32 $0x6800, s14  }
0xc: {  	s8 =	sor.u32 s24, s25;
	s17 =	sadd.s32 $0x9C00, s14;
	s18 =	sadd.s32 $0xD000, s14  }
0xd: {  	s20 =	sadd.s32 $0x10400, s14;
	s24 =	simm.s32 $0x4A00;
	s21 =	ssub.s32 s6, s7  }
0xe: {  	s5 =	sadd.s32 s5, s2;
	s6 =	sadd.s32 s15, s2;
	s7 =	sadd.s32 s16, s2  }
0xf: {  	s10 =	smul.u32 $0x2710, s8;
	s8 =	sadd.s32 s17, s2;
	s9 =	sadd.s32 s18, s2  }
0x10: {  	s3 =	sadd.s32 s23, s3;
	s14 =	sadd.s32 s14, s19;
	s15 =	sadd.s32 s19, s15  }
0x11: {  	s16 =	sadd.s32 s19, s16;
	s17 =	sadd.s32 s19, s17;
	s18 =	sadd.s32 s19, s18  }
0x12: {  	s14 =	sshrl.u32 s14, $0x3;
	s15 =	sshrl.u32 s15, $0x3;
	s16 =	sshrl.u32 s16, $0x3  }
0x13: {  	s23 =	sshrl.u32 s18, $0x3;
	s3 =	sshrl.u32 s3, $0x3;
	s21 =	smax.u32 s21, $0x1  }
0x14: {  	s22 =	sshrl.u32 s10, $0x3;
	s10 =	sadd.s32 s20, s2;
	s14 =	sadd.s32 s0, s14  }
0x15: {  	s22 =	sadd.s32 $0x4E0, s22;
	[dreg:$0x6] =	wrdreg s14;
	s14 =	sadd.s32 s0, s15  }
0x16: {  	s20 =	sadd.s32 s19, s20;
	s26 =	sadd.s32 s12, s22;
	[dreg:$0x7] =	wrdreg s14  }
0x17: {  	s18 =	sadd.s32 s0, s23;
	s22 =	sadd.s32 s13, s22;
	[dreg:$0x4] =	wrdreg s26  }
0x18: {  	s23 =	sadd.s32 s3, s12;
	s14 =	sadd.s32 s0, s16;
	[dreg:$0x5] =	wrdreg s22  }
0x19: {  	s25 =	sshrl.u32 s20, $0x3;
	s12 =	simm.s32 $0x0;
	[dreg:$0x8] =	wrdreg s14  }
0x1a: {  	s22 =	sshrl.u32 s17, $0x3;
	s26 =	sshrl.u32 s19, $0x3;
	s19 =	sadd.s32 s0, s25  }
0x1b: {  	s25 =	simm.s32 $0x2;
	s14 =	sadd.s32 s0, s22;
	s0 =	sadd.s32 s0, s26  }
0x1c: {  	s22 =	sadd.s32 s3, s13;
	s26 =	simm.s32 $0x80;
	s3 =	simm.s32 $0x4200  }
0x1d: {  	v0 =	vimm.f32 $0.0e+00;
	[dreg:$0x9] =	wrdreg s14;
	s20 =	sadd.s32 $0x27000, s0;
	s0 =	simm.s32 $0x10  }
.LBB2_1:
0x1e: {  	s13 =	simm.s32 $0x0;
	s14 =	simm.s32 $0x200  }
.LBB2_2:
0x1f: {  	p1 =	sne.s32 s14, $0xCE00;
	[tilespmem:s13+$0x4A70] =	vst v0  }
0x20: {  	[tilespmem:s13+$0x4A00] =	vst v0  }
0x21: {  	[tilespmem:s13+$0x4A10] =	vst v0  }
.Ltmp0:
0x22: {  	[tilespmem:s13+$0x4A20] =	vst v0;
	(pc) =	sbr.rel @p1 .LBB2_2-.Ltmp0, $4  }
0x23: {  	[tilespmem:s13+$0x4A30] =	vst v0  }
0x24: {  	[tilespmem:s13+$0x4A40] =	vst v0  }
0x25: {  	[tilespmem:s13+$0x4A50] =	vst v0  }
0x26: {  	[tilespmem:s13+$0x4A60] =	vst v0;
	s13 =	sshra.s32 s14, $0x2;
	s14 =	sadd.s32 $0x200, s14  }
0x27: {  	[tilespmem:s13+$0x4A70] =	vst v0  }
0x28: {  	[tilespmem:s13+$0x4A00] =	vst v0  }
0x29: {  	[tilespmem:s13+$0x4A10] =	vst v0  }
0x2a: {  	[tilespmem:s13+$0x4A20] =	vst v0  }
0x2b: {  	[tilespmem:s13+$0x4A30] =	vst v0  }
0x2c: {  	[tilespmem:s13+$0x4A40] =	vst v0  }
0x2d: {  	[tilespmem:s13+$0x4A50] =	vst v0  }
0x2e: {  	[tilespmem:s13+$0x4A60] =	vst v0  }
0x2f: {  	[spmem:s5] =	stream.linear.scatter [tilespmem:s24], [sflag:$0x2], $0x3400, $0x38;
	[tilespmem:$0x1B680] =	vst v63  }
0x30: {  	_ =	swait.ge [sflag:s25], $0x3400  }
0x31: {  	[sflag:s25] =	ssyncset.done $0x0  }
0x32: {  	[sflag:s25] =	ssyncadd.s32 $0xFFFFCC00  }
0x33: {  	[spmem:s6] =	stream.linear.scatter [tilespmem:s24], [sflag:$0x2], $0x3400, $0x38;
	[tilespmem:$0x1B680] =	vst v63  }
0x34: {  	_ =	swait.ge [sflag:s25], $0x3400  }
0x35: {  	[sflag:s25] =	ssyncset.done $0x0  }
0x36: {  	[sflag:s25] =	ssyncadd.s32 $0xFFFFCC00  }
0x37: {  	[spmem:s7] =	stream.linear.scatter [tilespmem:s24], [sflag:$0x2], $0x3400, $0x38;
	[tilespmem:$0x1B680] =	vst v63  }
0x38: {  	_ =	swait.ge [sflag:s25], $0x3400  }
0x39: {  	[sflag:s25] =	ssyncset.done $0x0  }
0x3a: {  	[sflag:s25] =	ssyncadd.s32 $0xFFFFCC00  }
0x3b: {  	[spmem:s8] =	stream.linear.scatter [tilespmem:s24], [sflag:$0x2], $0x3400, $0x38;
	[tilespmem:$0x1B680] =	vst v63  }
0x3c: {  	_ =	swait.ge [sflag:s25], $0x3400  }
0x3d: {  	[sflag:s25] =	ssyncset.done $0x0  }
0x3e: {  	[sflag:s25] =	ssyncadd.s32 $0xFFFFCC00  }
0x3f: {  	[spmem:s9] =	stream.linear.scatter [tilespmem:s24], [sflag:$0x2], $0x3400, $0x38;
	[tilespmem:$0x1B680] =	vst v63  }
0x40: {  	_ =	swait.ge [sflag:s25], $0x3400  }
0x41: {  	[sflag:s25] =	ssyncset.done $0x0  }
0x42: {  	[sflag:s25] =	ssyncadd.s32 $0xFFFFCC00  }
0x43: {  	[spmem:s10] =	stream.linear.scatter [tilespmem:s24], [sflag:$0x2], $0x3400, $0x38;
	[tilespmem:$0x1B680] =	vst v63  }
0x44: {  	_ =	swait.ge [sflag:s25], $0x3400  }
0x45: {  	[sflag:s25] =	ssyncset.done $0x0  }
0x46: {  	s13 =	simm.s32 @!p0 $0x4A00;
	[sflag:s25] =	ssyncadd.s32 $0xFFFFCC00  }
0x47: {  	[spmem:s11] =	stream.linear.scatter @!p0 [tilespmem:s13], [sflag:$0x2], $0x800, $0x38;
	[tilespmem:$0x1B680] =	vst v63  }
0x48: {  	s13 =	simm.s32 @!p0 $0x2  }
0x49: {  	_ =	swait.ge @!p0 [sflag:s13], $0x800  }
0x4a: {  	[sflag:s13] =	ssyncset.done @!p0 $0x0  }
0x4b: {  	[sflag:s13] =	ssyncadd.s32 @!p0 $0xFFFFF800  }
0x4c: {  	s16 =	sadd.s32 $0x0, s23;
	[bflag:$0x0] =	sbarrier.arrive $0xFFFF  }
0x4d: {  	[tilespmem:s4], [sflag:$0x2] =	stream.linear.gather [hbm4b:s16+s4], $0x80, $0x38;
	[tilespmem:$0x1B680] =	vst v63  }
0x4e: {  	_ =	swait.ge [sflag:s25], $0x80  }
0x4f: {  	[sflag:s25] =	ssyncset.done $0x0  }
0x50: {  	s17 =	sadd.s32 $0x0, s22;
	[sflag:s25] =	ssyncadd.s32 $0xFFFFFF80  }
0x51: {  	[tilespmem:s26], [sflag:$0x2] =	stream.linear.gather [hbm4b:s17+s4], $0x80, $0x38;
	[tilespmem:$0x1B680] =	vst v63  }
0x52: {  	_ =	swait.ge [sflag:s25], $0x80  }
0x53: {  	[sflag:s25] =	ssyncset.done $0x0  }
0x54: {  	[sflag:s25] =	ssyncadd.s32 $0xFFFFFF80  }
0x55: {  	[tilespmem:s28], [sflag:$0x1] =	stream.indirect.gather [hbm4b:s1+s26], $0x80, s4, s26, $0xb8;
	[tilespmem:$0x1B680] =	vst v63  }
0x56: {  	_ =	swait.ge [sflag:s29], $0x4000  }
0x57: {  	[sflag:s29] =	ssyncset.done $0x0  }
0x58: {  	[sflag:s29] =	ssyncadd.s32 $0xFFFFC000  }
0x59: {  	[spmem:s2] =	stream.indirect.scatter.add.f32 [tilespmem:s28], [sflag:$0x2], $0x80, s26, s26, $0xb8;
	[tilespmem:$0x1B680] =	vst v63  }
0x5a: {  	_ =	swait.ge [sflag:s25], $0x4000  }
0x5b: {  	s14 =	simm.s32 $0x20;
	s13 =	simm.s32 $0x10;
	[sflag:s25] =	ssyncset.done $0x0  }
.LBB2_4:
0x5c: {  	s15 =	sadd.s32 s13, s23  }
0x5d: {  	[sflag:s25] =	ssyncadd.s32 $0xFFFFC000;
	s16 =	smov.u32 s14;
	s17 =	sadd.s32 $0x10, s14  }
0x5e: {  	[tilespmem:s4], [sflag:$0x2] =	stream.linear.gather [hbm4b:s15+s4], $0x80, $0x38;
	[tilespmem:$0x1B680] =	vst v63  }
0x5f: {  	p1 =	sne.s32 s14, $0x4D0;
	_ =	swait.ge [sflag:s25], $0x80  }
0x60: {  	[sflag:s25] =	ssyncset.done $0x0  }
0x61: {  	s14 =	sadd.s32 s13, s22;
	s13 =	smov.u32 s16;
	[sflag:s25] =	ssyncadd.s32 $0xFFFFFF80  }
0x62: {  	[tilespmem:s26], [sflag:$0x2] =	stream.linear.gather [hbm4b:s14+s4], $0x80, $0x38;
	[tilespmem:$0x1B680] =	vst v63  }
0x63: {  	_ =	swait.ge [sflag:s25], $0x80  }
0x64: {  	[sflag:s25] =	ssyncset.done $0x0  }
0x65: {  	[sflag:s25] =	ssyncadd.s32 $0xFFFFFF80  }
0x66: {  	[tilespmem:s28], [sflag:$0x1] =	stream.indirect.gather [hbm4b:s1+s26], $0x80, s4, s26, $0xb8;
	[tilespmem:$0x1B680] =	vst v63  }
0x67: {  	_ =	swait.ge [sflag:s29], $0x4000  }
.Ltmp1:
0x68: {  	[sflag:s29] =	ssyncset.done $0x0;
	(pc) =	sbr.rel @p1 .LBB2_4-.Ltmp1, $4  }
0x69: {  	[sflag:s29] =	ssyncadd.s32 $0xFFFFC000  }
0x6a: {  	[spmem:s2] =	stream.indirect.scatter.add.f32 [tilespmem:s28], [sflag:$0x2], $0x80, s26, s26, $0xb8;
	[tilespmem:$0x1B680] =	vst v63  }
0x6b: {  	_ =	swait.ge [sflag:s25], $0x4000  }
0x6c: {  	s14 =	smov.u32 s17;
	[sflag:s25] =	ssyncset.done $0x0  }
0x6d: {  	s14 =	sadd.s32 s13, s23;
	[sflag:s25] =	ssyncadd.s32 $0xFFFFC000  }
0x6e: {  	[tilespmem:s4], [sflag:$0x2] =	stream.linear.gather [hbm4b:s14+s4], $0x80, $0x38;
	[tilespmem:$0x1B680] =	vst v63  }
0x6f: {  	_ =	swait.ge [sflag:s25], $0x80  }
0x70: {  	[sflag:s25] =	ssyncset.done $0x0  }
0x71: {  	s17 =	sadd.s32 s13, s22;
	[sflag:s25] =	ssyncadd.s32 $0xFFFFFF80  }
0x72: {  	[tilespmem:s26], [sflag:$0x2] =	stream.linear.gather [hbm4b:s17+s4], $0x80, $0x38;
	[tilespmem:$0x1B680] =	vst v63  }
0x73: {  	_ =	swait.ge [sflag:s25], $0x80  }
0x74: {  	[sflag:s25] =	ssyncset.done $0x0  }
0x75: {  	[sflag:s25] =	ssyncadd.s32 $0xFFFFFF80  }
0x76: {  	[tilespmem:s28], [sflag:$0x1] =	stream.indirect.gather [hbm4b:s1+s26], $0x80, s4, s26, $0xb8;
	[tilespmem:$0x1B680] =	vst v63  }
0x77: {  	_ =	swait.ge [sflag:s29], $0x4000  }
0x78: {  	[sflag:s29] =	ssyncset.done $0x0  }
0x79: {  	[sflag:s29] =	ssyncadd.s32 $0xFFFFC000  }
0x7a: {  	[spmem:s2] =	stream.indirect.scatter.add.f32 [tilespmem:s28], [sflag:$0x2], $0x80, s26, s26, $0xb8;
	[tilespmem:$0x1B680] =	vst v63  }
0x7b: {  	_ =	swait.ge [sflag:s25], $0x4000  }
0x7c: {  	[sflag:s25] =	ssyncset.done $0x0  }
0x7d: {  	s14 =	rddreg [dreg:$0x4];
	[sflag:s25] =	ssyncadd.s32 $0xFFFFC000  }
0x7e: {  	[tilespmem:s30], [sflag:$0x2] =	stream.linear.gather [hbm4b:s14+s4], $0x10, $0x38;
	[tilespmem:$0x1B680] =	vst v63  }
0x7f: {  	_ =	swait.ge [sflag:s25], $0x10  }
0x80: {  	[sflag:s25] =	ssyncset.done $0x0  }
0x81: {  	s15 =	rddreg [dreg:$0x5];
	[sflag:s25] =	ssyncadd.s32 $0xFFFFFFF0  }
0x82: {  	[tilespmem:s31], [sflag:$0x2] =	stream.linear.gather [hbm4b:s15+s4], $0x10, $0x38;
	[tilespmem:$0x1B680] =	vst v63  }
0x83: {  	_ =	swait.ge [sflag:s25], $0x10  }
0x84: {  	[sflag:s25] =	ssyncset.done $0x0  }
0x85: {  	[sflag:s25] =	ssyncadd.s32 $0xFFFFFFF0  }
0x86: {  	[tilespmem:s3], [sflag:$0x1] =	stream.indirect.gather [hbm4b:s1+s0], $0x80, s30, s0, $0xb8;
	[tilespmem:$0x1B680] =	vst v63  }
0x87: {  	_ =	swait.ge [sflag:s29], $0x800  }
0x88: {  	[sflag:s29] =	ssyncset.done $0x0  }
0x89: {  	[sflag:s29] =	ssyncadd.s32 $0xFFFFF800  }
0x8a: {  	[spmem:s2] =	stream.indirect.scatter.add.f32 [tilespmem:s3], [sflag:$0x2], $0x80, s31, s0, $0xb8;
	[tilespmem:$0x1B680] =	vst v63  }
0x8b: {  	_ =	swait.ge [sflag:s25], $0x800  }
0x8c: {  	[sflag:s25] =	ssyncset.done $0x0  }
0x8d: {  	s16 =	stileid.u32;
	[sflag:s25] =	ssyncadd.s32 $0xFFFFF800  }
0x8e: {  	s13 =	sshll.u32 s16, $0x6;
	[bflag:$0x0] =	sbarrier.arrive $0xFFFF  }
0x8f: {  	s13 =	sor.u32 $0x1C02, s13;
	s17 =	sshrl.u32 s5, $0x3;
	s15 =	rddreg [dreg:$0x6]  }
0x90: {  	[hbm:s15], [sflag:s13] =	dma.local [spmem:s17], $0x680  }
0x91: {  	_ =	swait.ge [sflag:s25], $0x680  }
0x92: {  	[sflag:s25] =	ssyncset.done $0x0  }
0x93: {  	s16 =	sshrl.u32 s6, $0x3;
	s17 =	rddreg [dreg:$0x7];
	[sflag:s25] =	ssyncadd.s32 $0xFFFFF980  }
0x94: {  	[hbm:s17], [sflag:s13] =	dma.local [spmem:s16], $0x680  }
0x95: {  	_ =	swait.ge [sflag:s25], $0x680  }
0x96: {  	[sflag:s25] =	ssyncset.done $0x0  }
0x97: {  	s16 =	sshrl.u32 s7, $0x3;
	s17 =	rddreg [dreg:$0x8];
	[sflag:s25] =	ssyncadd.s32 $0xFFFFF980  }
0x98: {  	[hbm:s17], [sflag:s13] =	dma.local [spmem:s16], $0x680  }
0x99: {  	_ =	swait.ge [sflag:s25], $0x680  }
0x9a: {  	[sflag:s25] =	ssyncset.done $0x0  }
0x9b: {  	s16 =	sshrl.u32 s8, $0x3;
	s17 =	rddreg [dreg:$0x9];
	[sflag:s25] =	ssyncadd.s32 $0xFFFFF980  }
0x9c: {  	[hbm:s17], [sflag:s13] =	dma.local [spmem:s16], $0x680  }
0x9d: {  	_ =	swait.ge [sflag:s25], $0x680  }
0x9e: {  	[sflag:s25] =	ssyncset.done $0x0  }
0x9f: {  	s16 =	sshrl.u32 s9, $0x3;
	[sflag:s25] =	ssyncadd.s32 $0xFFFFF980  }
0xa0: {  	[hbm:s18], [sflag:s13] =	dma.local [spmem:s16], $0x680  }
0xa1: {  	_ =	swait.ge [sflag:s25], $0x680  }
0xa2: {  	[sflag:s25] =	ssyncset.done $0x0  }
0xa3: {  	s17 =	sshrl.u32 s10, $0x3;
	[sflag:s25] =	ssyncadd.s32 $0xFFFFF980  }
0xa4: {  	[hbm:s19], [sflag:s13] =	dma.local [spmem:s17], $0x680  }
0xa5: {  	_ =	swait.ge [sflag:s25], $0x680  }
0xa6: {  	s12 =	sadd.s32 $0x1, s12;
	[sflag:s25] =	ssyncset.done $0x0  }
0xa7: {  	p1 =	sne.s32 s12, s21;
	s14 =	sshrl.u32 @!p0 s11, $0x3;
	[sflag:s25] =	ssyncadd.s32 $0xFFFFF980  }
0xa8: {  	[hbm:s20], [sflag:s13] =	dma.local @!p0 [spmem:s14], $0x100  }
.Ltmp2:
0xa9: {  	_ = 	snop;
	(pc) =	sbr.rel @p1 .LBB2_1-.Ltmp2, $4  }
0xaa: {  	s13 =	simm.s32 @!p0 $0x2  }
0xab: {  	_ =	swait.ge @!p0 [sflag:s13], $0x100  }
0xac: {  	[sflag:s13] =	ssyncset.done @!p0 $0x0  }
0xad: {  	[sflag:s13] =	ssyncadd.s32 @!p0 $0xFFFFFF00  }
0xae: {  	_ =	sfence.sel $0x180000  }
0xaf: {  	[bflag:$0x0] =	sbarrier.arrive $0xFFFF  }
0xb0: {  	_ =	strace $0x90000047  }
0xb1: {  	s0 =	stileid.u32;
	[bflag:$0x2] =	sbarrier.arrive $0xFFFF  }
0xb2: {  	p0 =	sne.s32 s0, $0x0;
	s0 =	rddreg [dreg:$0x3]  }
0xb3: {  	s0 =	sadd.s32 @!p0 $0x100000, s0  }
0xb4: {  	[sflag:s0] =	ssyncadd.tile.s32 @!p0 $0x1;
	_ =	shalt  }
.Lfunc_end2:
_tile_overlayer_lowered:
.L_overlay_start_2:
0xb5: {  	(tag) =	ssettag $0x2  }
0xb6: {  	s0 =	rddreg [dreg:$0x0];
	s2 =	stileid.u32  }
0xb7: {  	s1 =	rddreg [dreg:$0x1];
	p0 =	sne.s32 s2, $0x0  }
0xb8: {  	s3 =	rddreg [dreg:$0x2];
	[bflag:$0x3] =	sbarrier.arrive $0xFFFF;
	s2 =	simm.s32 @!p0 $0x1C02  }
0xb9: {  	[timem:s3], [sflag:s2] =	dma.local @!p0 [hbm:s0], s1  }
0xba: {  	s0 =	simm.s32 @!p0 $0x2  }
0xbb: {  	_ =	swait.ge @!p0 [sflag:s0], s1  }
0xbc: {  	s1 =	ssub.s32 @!p0 $0x0, s1;
	[sflag:s0] =	ssyncset.done @!p0 $0x0  }
0xbd: {  	[sflag:s0] =	ssyncadd.s32 @!p0 s1  }
0xbe: {  	[bflag:$0x3] =	sbarrier.arrive $0xFFFF  }
0xbf: {  	_ =	shalt  }

</sc_bundles>
